<compile_context>
chip_gen: v7x
topology: tpu7x:2x2x1
jax: 0.10.2.dev20260603
libtpu: 0.0.44.dev20260713+nightly
codegen_flags: <defaults>
</compile_context>

<pallas_src>
import functools

import jax
import jax.numpy as jnp
from jax import lax
from jax.experimental import pallas as pl
from jax.experimental.pallas import tpu as pltpu
from jax.experimental.pallas import tpu_sc as plsc

DIM = 32
NUM_CORES = 2
NUM_SUBCORES = 16
NUM_WORKERS = NUM_CORES * NUM_SUBCORES
CHUNK = 128
NBUF = 8


@functools.partial(jax.jit, static_argnames=("b_per_w",))
def _gather_sc(table, idx_flat, b_per_w):
    n_chunks = b_per_w // CHUNK
    n_groups = n_chunks // NBUF
    mesh = plsc.VectorSubcoreMesh(core_axis_name="c", subcore_axis_name="s")

    @functools.partial(
        pl.kernel,
        out_type=jax.ShapeDtypeStruct((idx_flat.shape[0], DIM), jnp.float32),
        mesh=mesh,
        scratch_types=[
            pltpu.VMEM((b_per_w,), jnp.int32),
            [pltpu.VMEM((CHUNK, DIM), jnp.float32) for _ in range(NBUF)],
            [pltpu.SemaphoreType.DMA for _ in range(NBUF)],
            [pltpu.SemaphoreType.DMA for _ in range(NBUF)],
        ],
        compiler_params=pltpu.CompilerParams(use_tc_tiling_on_sc=False),
    )
    def k(table_hbm, idx_hbm, out_hbm, idx_v, rows, gsems, wsems):
        wid = lax.axis_index("s") * NUM_CORES + lax.axis_index("c")
        base = wid * b_per_w
        pltpu.sync_copy(idx_hbm.at[pl.ds(base, b_per_w)], idx_v)

        def gather_start(j, b):
            pltpu.async_copy(
                table_hbm.at[idx_v.at[pl.ds(j * CHUNK, CHUNK)]], rows[b], gsems[b]
            )

        def gather_wait(b):
            pltpu.make_async_copy(
                table_hbm.at[idx_v.at[pl.ds(0, CHUNK)]], rows[b], gsems[b]
            ).wait()

        def write_start(j, b):
            pltpu.async_copy(
                rows[b], out_hbm.at[pl.ds(base + j * CHUNK, CHUNK)], wsems[b]
            )

        def write_wait(j, b):
            pltpu.make_async_copy(
                rows[b], out_hbm.at[pl.ds(base + j * CHUNK, CHUNK)], wsems[b]
            ).wait()

        for b in range(NBUF):
            gather_start(b, b)

        def body(g, carry):
            j0 = g * NBUF
            for b in range(NBUF):
                gather_wait(b)
                write_start(j0 + b, b)
            for b in range(NBUF):
                write_wait(j0 + b, b)
                gather_start(j0 + b + NBUF, b)
            return carry

        lax.fori_loop(0, n_groups - 1, body, 0)
        j0 = (n_groups - 1) * NBUF
        for b in range(NBUF):
            gather_wait(b)
            write_start(j0 + b, b)
        for b in range(NBUF):
            write_wait(j0 + b, b)

    return k(table, idx_flat)


def kernel(table, indices):
    batch, fields = indices.shape
    total = batch * fields
    idx_flat = indices.reshape(total)
    out = _gather_sc(table, idx_flat, total // NUM_WORKERS)
    return out.reshape(batch, fields, DIM)

# --- scband reference (transcript-rebuilt; emitter-appended) ---
"""Pipeline reference for scband-embedding-8358006358635 (READ-ONLY COPY).

The authoritative reference and input builder live on the scoring server;
editing this copy changes nothing except your own understanding.
"""

import jax, jax.numpy as jnp
import numpy as np

VOCAB = 1000000
DIM = 32
BATCH = 16384
FIELDS = 26

def setup_inputs(seed: int = 0) -> dict:
    key = jax.random.key(seed)
    k_idx, k_tab = jax.random.split(key)
    indices = jax.random.randint(k_idx, (BATCH, FIELDS), 0, VOCAB, dtype=jnp.int64 if jax.config.jax_enable_x64 else jnp.int32).astype(jnp.int32)
    # The sparse table parameter (normally held server-side by kraken),
    # materialized here as a dense parameter with NormalInitializer semantics.
    table = jax.random.normal(k_tab, (VOCAB, DIM), dtype=jnp.float32)
    return {"table": table, "indices": indices}

def reference(table, indices):
    # EmbeddingFunction.forward: pull_sparse_table(table_id, indices)
    # == row gather from the sparse table.
    return jnp.take(table, indices, axis=0)

if __name__ == "__main__":
    import jax
    _d = setup_inputs()
    print(jax.jit(kernel)(*tuple(_d.values())))

</pallas_src>

<mosaic_0001>
#map = affine_map<(d0, d1) -> (0, 0)>
#map1 = affine_map<(d0, d1) -> (0)>
module attributes {stable_mosaic.version = 14 : i64} {
  func.func @k(%arg0: i32, %arg1: i32, %arg2: memref<1000000x32xf32, #tpu.memory_space<hbm>>, %arg3: memref<425984xi32, #tpu.memory_space<hbm>>, %arg4: memref<425984x32xf32, #tpu.memory_space<hbm>>, %arg5: memref<13312xi32, #tpu.memory_space<vmem>>, %arg6: memref<128x32xf32, #tpu.memory_space<vmem>>, %arg7: memref<128x32xf32, #tpu.memory_space<vmem>>, %arg8: memref<128x32xf32, #tpu.memory_space<vmem>>, %arg9: memref<128x32xf32, #tpu.memory_space<vmem>>, %arg10: memref<128x32xf32, #tpu.memory_space<vmem>>, %arg11: memref<128x32xf32, #tpu.memory_space<vmem>>, %arg12: memref<128x32xf32, #tpu.memory_space<vmem>>, %arg13: memref<128x32xf32, #tpu.memory_space<vmem>>, %arg14: memref<!tpu.dma_semaphore, #tpu.memory_space<semaphore_mem>>, %arg15: memref<!tpu.dma_semaphore, #tpu.memory_space<semaphore_mem>>, %arg16: memref<!tpu.dma_semaphore, #tpu.memory_space<semaphore_mem>>, %arg17: memref<!tpu.dma_semaphore, #tpu.memory_space<semaphore_mem>>, %arg18: memref<!tpu.dma_semaphore, #tpu.memory_space<semaphore_mem>>, %arg19: memref<!tpu.dma_semaphore, #tpu.memory_space<semaphore_mem>>, %arg20: memref<!tpu.dma_semaphore, #tpu.memory_space<semaphore_mem>>, %arg21: memref<!tpu.dma_semaphore, #tpu.memory_space<semaphore_mem>>, %arg22: memref<!tpu.dma_semaphore, #tpu.memory_space<semaphore_mem>>, %arg23: memref<!tpu.dma_semaphore, #tpu.memory_space<semaphore_mem>>, %arg24: memref<!tpu.dma_semaphore, #tpu.memory_space<semaphore_mem>>, %arg25: memref<!tpu.dma_semaphore, #tpu.memory_space<semaphore_mem>>, %arg26: memref<!tpu.dma_semaphore, #tpu.memory_space<semaphore_mem>>, %arg27: memref<!tpu.dma_semaphore, #tpu.memory_space<semaphore_mem>>, %arg28: memref<!tpu.dma_semaphore, #tpu.memory_space<semaphore_mem>>, %arg29: memref<!tpu.dma_semaphore, #tpu.memory_space<semaphore_mem>>) attributes {dimension_semantics = [#tpu.dimension_semantics<core_parallel>, #tpu.dimension_semantics<subcore_parallel>], iteration_bounds = array<i64: 2, 16>, scalar_prefetch = 0 : i64, scratch_operands = 25 : i64, tpu.core_type = #tpu.core_type<sc_vector_subcore>, window_params = [{transform_indices = #map}, {transform_indices = #map1}, {transform_indices = #map}]} {
    %mul3A = arith.constant 2 : i32
    %mul3A_0 = arith.muli %arg1, %mul3A : i32
    %add3A = arith.addi %mul3A_0, %arg0 : i32
    %mul3A_1 = arith.constant 13312 : i32
    %mul3A_2 = arith.muli %add3A, %mul3A_1 : i32
    "tpu.region"() ({
      %run_scoped3A = tpu.sem_alloc : memref<!tpu.dma_semaphore, #tpu.memory_space<semaphore_mem>>
      %dma_start3A_182 = tpu.memref_slice %arg3[%mul3A_2] : memref<425984xi32, #tpu.memory_space<hbm>> -> memref<13312xi32, #tpu.memory_space<hbm>>
      %dma_start3A_183 = tpu.memref_slice %arg3[%mul3A_2] : memref<425984xi32, #tpu.memory_space<hbm>> -> memref<13312xi32, #tpu.memory_space<hbm>>
      tpu.enqueue_dma source(%dma_start3A_183 : memref<13312xi32, #tpu.memory_space<hbm>>) target(%arg5 : memref<13312xi32, #tpu.memory_space<vmem>>) target_semaphore(%run_scoped3A : memref<!tpu.dma_semaphore, #tpu.memory_space<semaphore_mem>>)
      %dma_wait3A_184 = tpu.memref_slice %arg3[%mul3A_2] : memref<425984xi32, #tpu.memory_space<hbm>> -> memref<13312xi32, #tpu.memory_space<hbm>>
      %dma_wait3A_185 = tpu.memref_slice %arg3[%mul3A_2] : memref<425984xi32, #tpu.memory_space<hbm>> -> memref<13312xi32, #tpu.memory_space<hbm>>
      tpu.wait_dma2 semaphore(%run_scoped3A : memref<!tpu.dma_semaphore, #tpu.memory_space<semaphore_mem>>) src(%dma_wait3A_185 : memref<13312xi32, #tpu.memory_space<hbm>>) dst(%arg5 : memref<13312xi32, #tpu.memory_space<vmem>>)
      tpu.yield
    }) : () -> ()
    %dma_start3A = arith.constant 0 : i32
    %dma_start3A_3 = tpu.memref_slice %arg5[%dma_start3A] : memref<13312xi32, #tpu.memory_space<vmem>> -> memref<128xi32, #tpu.memory_space<vmem>>
    %dma_start3A_4 = arith.constant 0 : i32
    %dma_start3A_5 = arith.constant 0 : i32
    %dma_start3A_6 = tpu.memref_slice %arg2[%dma_start3A_4, %dma_start3A_5] : memref<1000000x32xf32, #tpu.memory_space<hbm>> -> memref<1000000x32xf32, #tpu.memory_space<hbm>>
    tpu.enqueue_indirect_dma source(%dma_start3A_6 : memref<1000000x32xf32, #tpu.memory_space<hbm>>) target(%arg6 : memref<128x32xf32, #tpu.memory_space<vmem>>) offsets(%dma_start3A_3 : memref<128xi32, #tpu.memory_space<vmem>>) semaphore(%arg14 : memref<!tpu.dma_semaphore, #tpu.memory_space<semaphore_mem>>)
    %dma_start3A_7 = arith.constant 128 : i32
    %dma_start3A_8 = tpu.memref_slice %arg5[%dma_start3A_7] : memref<13312xi32, #tpu.memory_space<vmem>> -> memref<128xi32, #tpu.memory_space<vmem>>
    %dma_start3A_9 = arith.constant 0 : i32
    %dma_start3A_10 = arith.constant 0 : i32
    %dma_start3A_11 = tpu.memref_slice %arg2[%dma_start3A_9, %dma_start3A_10] : memref<1000000x32xf32, #tpu.memory_space<hbm>> -> memref<1000000x32xf32, #tpu.memory_space<hbm>>
    tpu.enqueue_indirect_dma source(%dma_start3A_11 : memref<1000000x32xf32, #tpu.memory_space<hbm>>) target(%arg7 : memref<128x32xf32, #tpu.memory_space<vmem>>) offsets(%dma_start3A_8 : memref<128xi32, #tpu.memory_space<vmem>>) semaphore(%arg15 : memref<!tpu.dma_semaphore, #tpu.memory_space<semaphore_mem>>)
    %dma_start3A_12 = arith.constant 256 : i32
    %dma_start3A_13 = tpu.memref_slice %arg5[%dma_start3A_12] : memref<13312xi32, #tpu.memory_space<vmem>> -> memref<128xi32, #tpu.memory_space<vmem>>
    %dma_start3A_14 = arith.constant 0 : i32
    %dma_start3A_15 = arith.constant 0 : i32
    %dma_start3A_16 = tpu.memref_slice %arg2[%dma_start3A_14, %dma_start3A_15] : memref<1000000x32xf32, #tpu.memory_space<hbm>> -> memref<1000000x32xf32, #tpu.memory_space<hbm>>
    tpu.enqueue_indirect_dma source(%dma_start3A_16 : memref<1000000x32xf32, #tpu.memory_space<hbm>>) target(%arg8 : memref<128x32xf32, #tpu.memory_space<vmem>>) offsets(%dma_start3A_13 : memref<128xi32, #tpu.memory_space<vmem>>) semaphore(%arg16 : memref<!tpu.dma_semaphore, #tpu.memory_space<semaphore_mem>>)
    %dma_start3A_17 = arith.constant 384 : i32
    %dma_start3A_18 = tpu.memref_slice %arg5[%dma_start3A_17] : memref<13312xi32, #tpu.memory_space<vmem>> -> memref<128xi32, #tpu.memory_space<vmem>>
    %dma_start3A_19 = arith.constant 0 : i32
    %dma_start3A_20 = arith.constant 0 : i32
    %dma_start3A_21 = tpu.memref_slice %arg2[%dma_start3A_19, %dma_start3A_20] : memref<1000000x32xf32, #tpu.memory_space<hbm>> -> memref<1000000x32xf32, #tpu.memory_space<hbm>>
    tpu.enqueue_indirect_dma source(%dma_start3A_21 : memref<1000000x32xf32, #tpu.memory_space<hbm>>) target(%arg9 : memref<128x32xf32, #tpu.memory_space<vmem>>) offsets(%dma_start3A_18 : memref<128xi32, #tpu.memory_space<vmem>>) semaphore(%arg17 : memref<!tpu.dma_semaphore, #tpu.memory_space<semaphore_mem>>)
    %dma_start3A_22 = arith.constant 512 : i32
    %dma_start3A_23 = tpu.memref_slice %arg5[%dma_start3A_22] : memref<13312xi32, #tpu.memory_space<vmem>> -> memref<128xi32, #tpu.memory_space<vmem>>
    %dma_start3A_24 = arith.constant 0 : i32
    %dma_start3A_25 = arith.constant 0 : i32
    %dma_start3A_26 = tpu.memref_slice %arg2[%dma_start3A_24, %dma_start3A_25] : memref<1000000x32xf32, #tpu.memory_space<hbm>> -> memref<1000000x32xf32, #tpu.memory_space<hbm>>
    tpu.enqueue_indirect_dma source(%dma_start3A_26 : memref<1000000x32xf32, #tpu.memory_space<hbm>>) target(%arg10 : memref<128x32xf32, #tpu.memory_space<vmem>>) offsets(%dma_start3A_23 : memref<128xi32, #tpu.memory_space<vmem>>) semaphore(%arg18 : memref<!tpu.dma_semaphore, #tpu.memory_space<semaphore_mem>>)
    %dma_start3A_27 = arith.constant 640 : i32
    %dma_start3A_28 = tpu.memref_slice %arg5[%dma_start3A_27] : memref<13312xi32, #tpu.memory_space<vmem>> -> memref<128xi32, #tpu.memory_space<vmem>>
    %dma_start3A_29 = arith.constant 0 : i32
    %dma_start3A_30 = arith.constant 0 : i32
    %dma_start3A_31 = tpu.memref_slice %arg2[%dma_start3A_29, %dma_start3A_30] : memref<1000000x32xf32, #tpu.memory_space<hbm>> -> memref<1000000x32xf32, #tpu.memory_space<hbm>>
    tpu.enqueue_indirect_dma source(%dma_start3A_31 : memref<1000000x32xf32, #tpu.memory_space<hbm>>) target(%arg11 : memref<128x32xf32, #tpu.memory_space<vmem>>) offsets(%dma_start3A_28 : memref<128xi32, #tpu.memory_space<vmem>>) semaphore(%arg19 : memref<!tpu.dma_semaphore, #tpu.memory_space<semaphore_mem>>)
    %dma_start3A_32 = arith.constant 768 : i32
    %dma_start3A_33 = tpu.memref_slice %arg5[%dma_start3A_32] : memref<13312xi32, #tpu.memory_space<vmem>> -> memref<128xi32, #tpu.memory_space<vmem>>
    %dma_start3A_34 = arith.constant 0 : i32
    %dma_start3A_35 = arith.constant 0 : i32
    %dma_start3A_36 = tpu.memref_slice %arg2[%dma_start3A_34, %dma_start3A_35] : memref<1000000x32xf32, #tpu.memory_space<hbm>> -> memref<1000000x32xf32, #tpu.memory_space<hbm>>
    tpu.enqueue_indirect_dma source(%dma_start3A_36 : memref<1000000x32xf32, #tpu.memory_space<hbm>>) target(%arg12 : memref<128x32xf32, #tpu.memory_space<vmem>>) offsets(%dma_start3A_33 : memref<128xi32, #tpu.memory_space<vmem>>) semaphore(%arg20 : memref<!tpu.dma_semaphore, #tpu.memory_space<semaphore_mem>>)
    %dma_start3A_37 = arith.constant 896 : i32
    %dma_start3A_38 = tpu.memref_slice %arg5[%dma_start3A_37] : memref<13312xi32, #tpu.memory_space<vmem>> -> memref<128xi32, #tpu.memory_space<vmem>>
    %dma_start3A_39 = arith.constant 0 : i32
    %dma_start3A_40 = arith.constant 0 : i32
    %dma_start3A_41 = tpu.memref_slice %arg2[%dma_start3A_39, %dma_start3A_40] : memref<1000000x32xf32, #tpu.memory_space<hbm>> -> memref<1000000x32xf32, #tpu.memory_space<hbm>>
    tpu.enqueue_indirect_dma source(%dma_start3A_41 : memref<1000000x32xf32, #tpu.memory_space<hbm>>) target(%arg13 : memref<128x32xf32, #tpu.memory_space<vmem>>) offsets(%dma_start3A_38 : memref<128xi32, #tpu.memory_space<vmem>>) semaphore(%arg21 : memref<!tpu.dma_semaphore, #tpu.memory_space<semaphore_mem>>)
    %scan3A = arith.constant 0 : i32
    %scan3A_42 = arith.constant 0 : i32
    %scan3A_43 = arith.constant 12 : i32
    %scan3A_44 = arith.addi %scan3A_42, %scan3A_43 : i32
    %scan3A_45 = arith.constant 1 : i32
    scf.for %scan3A_182 = %scan3A_42 to %scan3A_44 step %scan3A_45  : i32 {
      %mul3A_183 = arith.constant 8 : i32
      %mul3A_184 = arith.muli %scan3A_182, %mul3A_183 : i32
      %dma_wait3A_185 = arith.constant 0 : i32
      %dma_wait3A_186 = tpu.memref_slice %arg5[%dma_wait3A_185] : memref<13312xi32, #tpu.memory_space<vmem>> -> memref<128xi32, #tpu.memory_space<vmem>>
      %dma_wait3A_187 = arith.constant 0 : i32
      %dma_wait3A_188 = arith.constant 0 : i32
      %dma_wait3A_189 = tpu.memref_slice %arg2[%dma_wait3A_187, %dma_wait3A_188] : memref<1000000x32xf32, #tpu.memory_space<hbm>> -> memref<1000000x32xf32, #tpu.memory_space<hbm>>
      tpu.wait_indirect_dma semaphore(%arg14 : memref<!tpu.dma_semaphore, #tpu.memory_space<semaphore_mem>>) src(%dma_wait3A_189 : memref<1000000x32xf32, #tpu.memory_space<hbm>>) dst(%arg6 : memref<128x32xf32, #tpu.memory_space<vmem>>)
      %add3A_190 = arith.constant 0 : i32
      %add3A_191 = arith.addi %mul3A_184, %add3A_190 : i32
      %mul3A_192 = arith.constant 128 : i32
      %mul3A_193 = arith.muli %add3A_191, %mul3A_192 : i32
      %add3A_194 = arith.addi %mul3A_2, %mul3A_193 : i32
      %dma_start3A_195 = arith.constant 0 : i32
      %dma_start3A_196 = tpu.memref_slice %arg4[%add3A_194, %dma_start3A_195] : memref<425984x32xf32, #tpu.memory_space<hbm>> -> memref<128x32xf32, #tpu.memory_space<hbm>>
      %dma_start3A_197 = arith.constant 0 : i32
      %dma_start3A_198 = tpu.memref_slice %arg4[%add3A_194, %dma_start3A_197] : memref<425984x32xf32, #tpu.memory_space<hbm>> -> memref<128x32xf32, #tpu.memory_space<hbm>>
      tpu.enqueue_dma source(%arg6 : memref<128x32xf32, #tpu.memory_space<vmem>>) target(%dma_start3A_198 : memref<128x32xf32, #tpu.memory_space<hbm>>) target_semaphore(%arg22 : memref<!tpu.dma_semaphore, #tpu.memory_space<semaphore_mem>>)
      %dma_wait3A_199 = arith.constant 0 : i32
      %dma_wait3A_200 = tpu.memref_slice %arg5[%dma_wait3A_199] : memref<13312xi32, #tpu.memory_space<vmem>> -> memref<128xi32, #tpu.memory_space<vmem>>
      %dma_wait3A_201 = arith.constant 0 : i32
      %dma_wait3A_202 = arith.constant 0 : i32
      %dma_wait3A_203 = tpu.memref_slice %arg2[%dma_wait3A_201, %dma_wait3A_202] : memref<1000000x32xf32, #tpu.memory_space<hbm>> -> memref<1000000x32xf32, #tpu.memory_space<hbm>>
      tpu.wait_indirect_dma semaphore(%arg15 : memref<!tpu.dma_semaphore, #tpu.memory_space<semaphore_mem>>) src(%dma_wait3A_203 : memref<1000000x32xf32, #tpu.memory_space<hbm>>) dst(%arg7 : memref<128x32xf32, #tpu.memory_space<vmem>>)
      %add3A_204 = arith.constant 1 : i32
      %add3A_205 = arith.addi %mul3A_184, %add3A_204 : i32
      %mul3A_206 = arith.constant 128 : i32
      %mul3A_207 = arith.muli %add3A_205, %mul3A_206 : i32
      %add3A_208 = arith.addi %mul3A_2, %mul3A_207 : i32
      %dma_start3A_209 = arith.constant 0 : i32
      %dma_start3A_210 = tpu.memref_slice %arg4[%add3A_208, %dma_start3A_209] : memref<425984x32xf32, #tpu.memory_space<hbm>> -> memref<128x32xf32, #tpu.memory_space<hbm>>
      %dma_start3A_211 = arith.constant 0 : i32
      %dma_start3A_212 = tpu.memref_slice %arg4[%add3A_208, %dma_start3A_211] : memref<425984x32xf32, #tpu.memory_space<hbm>> -> memref<128x32xf32, #tpu.memory_space<hbm>>
      tpu.enqueue_dma source(%arg7 : memref<128x32xf32, #tpu.memory_space<vmem>>) target(%dma_start3A_212 : memref<128x32xf32, #tpu.memory_space<hbm>>) target_semaphore(%arg23 : memref<!tpu.dma_semaphore, #tpu.memory_space<semaphore_mem>>)
      %dma_wait3A_213 = arith.constant 0 : i32
      %dma_wait3A_214 = tpu.memref_slice %arg5[%dma_wait3A_213] : memref<13312xi32, #tpu.memory_space<vmem>> -> memref<128xi32, #tpu.memory_space<vmem>>
      %dma_wait3A_215 = arith.constant 0 : i32
      %dma_wait3A_216 = arith.constant 0 : i32
      %dma_wait3A_217 = tpu.memref_slice %arg2[%dma_wait3A_215, %dma_wait3A_216] : memref<1000000x32xf32, #tpu.memory_space<hbm>> -> memref<1000000x32xf32, #tpu.memory_space<hbm>>
      tpu.wait_indirect_dma semaphore(%arg16 : memref<!tpu.dma_semaphore, #tpu.memory_space<semaphore_mem>>) src(%dma_wait3A_217 : memref<1000000x32xf32, #tpu.memory_space<hbm>>) dst(%arg8 : memref<128x32xf32, #tpu.memory_space<vmem>>)
      %add3A_218 = arith.constant 2 : i32
      %add3A_219 = arith.addi %mul3A_184, %add3A_218 : i32
      %mul3A_220 = arith.constant 128 : i32
      %mul3A_221 = arith.muli %add3A_219, %mul3A_220 : i32
      %add3A_222 = arith.addi %mul3A_2, %mul3A_221 : i32
      %dma_start3A_223 = arith.constant 0 : i32
      %dma_start3A_224 = tpu.memref_slice %arg4[%add3A_222, %dma_start3A_223] : memref<425984x32xf32, #tpu.memory_space<hbm>> -> memref<128x32xf32, #tpu.memory_space<hbm>>
      %dma_start3A_225 = arith.constant 0 : i32
      %dma_start3A_226 = tpu.memref_slice %arg4[%add3A_222, %dma_start3A_225] : memref<425984x32xf32, #tpu.memory_space<hbm>> -> memref<128x32xf32, #tpu.memory_space<hbm>>
      tpu.enqueue_dma source(%arg8 : memref<128x32xf32, #tpu.memory_space<vmem>>) target(%dma_start3A_226 : memref<128x32xf32, #tpu.memory_space<hbm>>) target_semaphore(%arg24 : memref<!tpu.dma_semaphore, #tpu.memory_space<semaphore_mem>>)
      %dma_wait3A_227 = arith.constant 0 : i32
      %dma_wait3A_228 = tpu.memref_slice %arg5[%dma_wait3A_227] : memref<13312xi32, #tpu.memory_space<vmem>> -> memref<128xi32, #tpu.memory_space<vmem>>
      %dma_wait3A_229 = arith.constant 0 : i32
      %dma_wait3A_230 = arith.constant 0 : i32
      %dma_wait3A_231 = tpu.memref_slice %arg2[%dma_wait3A_229, %dma_wait3A_230] : memref<1000000x32xf32, #tpu.memory_space<hbm>> -> memref<1000000x32xf32, #tpu.memory_space<hbm>>
      tpu.wait_indirect_dma semaphore(%arg17 : memref<!tpu.dma_semaphore, #tpu.memory_space<semaphore_mem>>) src(%dma_wait3A_231 : memref<1000000x32xf32, #tpu.memory_space<hbm>>) dst(%arg9 : memref<128x32xf32, #tpu.memory_space<vmem>>)
      %add3A_232 = arith.constant 3 : i32
      %add3A_233 = arith.addi %mul3A_184, %add3A_232 : i32
      %mul3A_234 = arith.constant 128 : i32
      %mul3A_235 = arith.muli %add3A_233, %mul3A_234 : i32
      %add3A_236 = arith.addi %mul3A_2, %mul3A_235 : i32
      %dma_start3A_237 = arith.constant 0 : i32
      %dma_start3A_238 = tpu.memref_slice %arg4[%add3A_236, %dma_start3A_237] : memref<425984x32xf32, #tpu.memory_space<hbm>> -> memref<128x32xf32, #tpu.memory_space<hbm>>
      %dma_start3A_239 = arith.constant 0 : i32
      %dma_start3A_240 = tpu.memref_slice %arg4[%add3A_236, %dma_start3A_239] : memref<425984x32xf32, #tpu.memory_space<hbm>> -> memref<128x32xf32, #tpu.memory_space<hbm>>
      tpu.enqueue_dma source(%arg9 : memref<128x32xf32, #tpu.memory_space<vmem>>) target(%dma_start3A_240 : memref<128x32xf32, #tpu.memory_space<hbm>>) target_semaphore(%arg25 : memref<!tpu.dma_semaphore, #tpu.memory_space<semaphore_mem>>)
      %dma_wait3A_241 = arith.constant 0 : i32
      %dma_wait3A_242 = tpu.memref_slice %arg5[%dma_wait3A_241] : memref<13312xi32, #tpu.memory_space<vmem>> -> memref<128xi32, #tpu.memory_space<vmem>>
      %dma_wait3A_243 = arith.constant 0 : i32
      %dma_wait3A_244 = arith.constant 0 : i32
      %dma_wait3A_245 = tpu.memref_slice %arg2[%dma_wait3A_243, %dma_wait3A_244] : memref<1000000x32xf32, #tpu.memory_space<hbm>> -> memref<1000000x32xf32, #tpu.memory_space<hbm>>
      tpu.wait_indirect_dma semaphore(%arg18 : memref<!tpu.dma_semaphore, #tpu.memory_space<semaphore_mem>>) src(%dma_wait3A_245 : memref<1000000x32xf32, #tpu.memory_space<hbm>>) dst(%arg10 : memref<128x32xf32, #tpu.memory_space<vmem>>)
      %add3A_246 = arith.constant 4 : i32
      %add3A_247 = arith.addi %mul3A_184, %add3A_246 : i32
      %mul3A_248 = arith.constant 128 : i32
      %mul3A_249 = arith.muli %add3A_247, %mul3A_248 : i32
      %add3A_250 = arith.addi %mul3A_2, %mul3A_249 : i32
      %dma_start3A_251 = arith.constant 0 : i32
      %dma_start3A_252 = tpu.memref_slice %arg4[%add3A_250, %dma_start3A_251] : memref<425984x32xf32, #tpu.memory_space<hbm>> -> memref<128x32xf32, #tpu.memory_space<hbm>>
      %dma_start3A_253 = arith.constant 0 : i32
      %dma_start3A_254 = tpu.memref_slice %arg4[%add3A_250, %dma_start3A_253] : memref<425984x32xf32, #tpu.memory_space<hbm>> -> memref<128x32xf32, #tpu.memory_space<hbm>>
      tpu.enqueue_dma source(%arg10 : memref<128x32xf32, #tpu.memory_space<vmem>>) target(%dma_start3A_254 : memref<128x32xf32, #tpu.memory_space<hbm>>) target_semaphore(%arg26 : memref<!tpu.dma_semaphore, #tpu.memory_space<semaphore_mem>>)
      %dma_wait3A_255 = arith.constant 0 : i32
      %dma_wait3A_256 = tpu.memref_slice %arg5[%dma_wait3A_255] : memref<13312xi32, #tpu.memory_space<vmem>> -> memref<128xi32, #tpu.memory_space<vmem>>
      %dma_wait3A_257 = arith.constant 0 : i32
      %dma_wait3A_258 = arith.constant 0 : i32
      %dma_wait3A_259 = tpu.memref_slice %arg2[%dma_wait3A_257, %dma_wait3A_258] : memref<1000000x32xf32, #tpu.memory_space<hbm>> -> memref<1000000x32xf32, #tpu.memory_space<hbm>>
      tpu.wait_indirect_dma semaphore(%arg19 : memref<!tpu.dma_semaphore, #tpu.memory_space<semaphore_mem>>) src(%dma_wait3A_259 : memref<1000000x32xf32, #tpu.memory_space<hbm>>) dst(%arg11 : memref<128x32xf32, #tpu.memory_space<vmem>>)
      %add3A_260 = arith.constant 5 : i32
      %add3A_261 = arith.addi %mul3A_184, %add3A_260 : i32
      %mul3A_262 = arith.constant 128 : i32
      %mul3A_263 = arith.muli %add3A_261, %mul3A_262 : i32
      %add3A_264 = arith.addi %mul3A_2, %mul3A_263 : i32
      %dma_start3A_265 = arith.constant 0 : i32
      %dma_start3A_266 = tpu.memref_slice %arg4[%add3A_264, %dma_start3A_265] : memref<425984x32xf32, #tpu.memory_space<hbm>> -> memref<128x32xf32, #tpu.memory_space<hbm>>
      %dma_start3A_267 = arith.constant 0 : i32
      %dma_start3A_268 = tpu.memref_slice %arg4[%add3A_264, %dma_start3A_267] : memref<425984x32xf32, #tpu.memory_space<hbm>> -> memref<128x32xf32, #tpu.memory_space<hbm>>
      tpu.enqueue_dma source(%arg11 : memref<128x32xf32, #tpu.memory_space<vmem>>) target(%dma_start3A_268 : memref<128x32xf32, #tpu.memory_space<hbm>>) target_semaphore(%arg27 : memref<!tpu.dma_semaphore, #tpu.memory_space<semaphore_mem>>)
      %dma_wait3A_269 = arith.constant 0 : i32
      %dma_wait3A_270 = tpu.memref_slice %arg5[%dma_wait3A_269] : memref<13312xi32, #tpu.memory_space<vmem>> -> memref<128xi32, #tpu.memory_space<vmem>>
      %dma_wait3A_271 = arith.constant 0 : i32
      %dma_wait3A_272 = arith.constant 0 : i32
      %dma_wait3A_273 = tpu.memref_slice %arg2[%dma_wait3A_271, %dma_wait3A_272] : memref<1000000x32xf32, #tpu.memory_space<hbm>> -> memref<1000000x32xf32, #tpu.memory_space<hbm>>
      tpu.wait_indirect_dma semaphore(%arg20 : memref<!tpu.dma_semaphore, #tpu.memory_space<semaphore_mem>>) src(%dma_wait3A_273 : memref<1000000x32xf32, #tpu.memory_space<hbm>>) dst(%arg12 : memref<128x32xf32, #tpu.memory_space<vmem>>)
      %add3A_274 = arith.constant 6 : i32
      %add3A_275 = arith.addi %mul3A_184, %add3A_274 : i32
      %mul3A_276 = arith.constant 128 : i32
      %mul3A_277 = arith.muli %add3A_275, %mul3A_276 : i32
      %add3A_278 = arith.addi %mul3A_2, %mul3A_277 : i32
      %dma_start3A_279 = arith.constant 0 : i32
      %dma_start3A_280 = tpu.memref_slice %arg4[%add3A_278, %dma_start3A_279] : memref<425984x32xf32, #tpu.memory_space<hbm>> -> memref<128x32xf32, #tpu.memory_space<hbm>>
      %dma_start3A_281 = arith.constant 0 : i32
      %dma_start3A_282 = tpu.memref_slice %arg4[%add3A_278, %dma_start3A_281] : memref<425984x32xf32, #tpu.memory_space<hbm>> -> memref<128x32xf32, #tpu.memory_space<hbm>>
      tpu.enqueue_dma source(%arg12 : memref<128x32xf32, #tpu.memory_space<vmem>>) target(%dma_start3A_282 : memref<128x32xf32, #tpu.memory_space<hbm>>) target_semaphore(%arg28 : memref<!tpu.dma_semaphore, #tpu.memory_space<semaphore_mem>>)
      %dma_wait3A_283 = arith.constant 0 : i32
      %dma_wait3A_284 = tpu.memref_slice %arg5[%dma_wait3A_283] : memref<13312xi32, #tpu.memory_space<vmem>> -> memref<128xi32, #tpu.memory_space<vmem>>
      %dma_wait3A_285 = arith.constant 0 : i32
      %dma_wait3A_286 = arith.constant 0 : i32
      %dma_wait3A_287 = tpu.memref_slice %arg2[%dma_wait3A_285, %dma_wait3A_286] : memref<1000000x32xf32, #tpu.memory_space<hbm>> -> memref<1000000x32xf32, #tpu.memory_space<hbm>>
      tpu.wait_indirect_dma semaphore(%arg21 : memref<!tpu.dma_semaphore, #tpu.memory_space<semaphore_mem>>) src(%dma_wait3A_287 : memref<1000000x32xf32, #tpu.memory_space<hbm>>) dst(%arg13 : memref<128x32xf32, #tpu.memory_space<vmem>>)
      %add3A_288 = arith.constant 7 : i32
      %add3A_289 = arith.addi %mul3A_184, %add3A_288 : i32
      %mul3A_290 = arith.constant 128 : i32
      %mul3A_291 = arith.muli %add3A_289, %mul3A_290 : i32
      %add3A_292 = arith.addi %mul3A_2, %mul3A_291 : i32
      %dma_start3A_293 = arith.constant 0 : i32
      %dma_start3A_294 = tpu.memref_slice %arg4[%add3A_292, %dma_start3A_293] : memref<425984x32xf32, #tpu.memory_space<hbm>> -> memref<128x32xf32, #tpu.memory_space<hbm>>
      %dma_start3A_295 = arith.constant 0 : i32
      %dma_start3A_296 = tpu.memref_slice %arg4[%add3A_292, %dma_start3A_295] : memref<425984x32xf32, #tpu.memory_space<hbm>> -> memref<128x32xf32, #tpu.memory_space<hbm>>
      tpu.enqueue_dma source(%arg13 : memref<128x32xf32, #tpu.memory_space<vmem>>) target(%dma_start3A_296 : memref<128x32xf32, #tpu.memory_space<hbm>>) target_semaphore(%arg29 : memref<!tpu.dma_semaphore, #tpu.memory_space<semaphore_mem>>)
      %add3A_297 = arith.constant 0 : i32
      %add3A_298 = arith.addi %mul3A_184, %add3A_297 : i32
      %mul3A_299 = arith.constant 128 : i32
      %mul3A_300 = arith.muli %add3A_298, %mul3A_299 : i32
      %add3A_301 = arith.addi %mul3A_2, %mul3A_300 : i32
      %dma_wait3A_302 = arith.constant 0 : i32
      %dma_wait3A_303 = tpu.memref_slice %arg4[%add3A_301, %dma_wait3A_302] : memref<425984x32xf32, #tpu.memory_space<hbm>> -> memref<128x32xf32, #tpu.memory_space<hbm>>
      %dma_wait3A_304 = arith.constant 0 : i32
      %dma_wait3A_305 = tpu.memref_slice %arg4[%add3A_301, %dma_wait3A_304] : memref<425984x32xf32, #tpu.memory_space<hbm>> -> memref<128x32xf32, #tpu.memory_space<hbm>>
      tpu.wait_dma2 semaphore(%arg22 : memref<!tpu.dma_semaphore, #tpu.memory_space<semaphore_mem>>) src(%arg6 : memref<128x32xf32, #tpu.memory_space<vmem>>) dst(%dma_wait3A_305 : memref<128x32xf32, #tpu.memory_space<hbm>>)
      %add3A_306 = arith.constant 0 : i32
      %add3A_307 = arith.addi %mul3A_184, %add3A_306 : i32
      %add3A_308 = arith.constant 8 : i32
      %add3A_309 = arith.addi %add3A_307, %add3A_308 : i32
      %mul3A_310 = arith.constant 128 : i32
      %mul3A_311 = arith.muli %add3A_309, %mul3A_310 : i32
      %dma_start3A_312 = tpu.memref_slice %arg5[%mul3A_311] : memref<13312xi32, #tpu.memory_space<vmem>> -> memref<128xi32, #tpu.memory_space<vmem>>
      %dma_start3A_313 = arith.constant 0 : i32
      %dma_start3A_314 = arith.constant 0 : i32
      %dma_start3A_315 = tpu.memref_slice %arg2[%dma_start3A_313, %dma_start3A_314] : memref<1000000x32xf32, #tpu.memory_space<hbm>> -> memref<1000000x32xf32, #tpu.memory_space<hbm>>
      tpu.enqueue_indirect_dma source(%dma_start3A_315 : memref<1000000x32xf32, #tpu.memory_space<hbm>>) target(%arg6 : memref<128x32xf32, #tpu.memory_space<vmem>>) offsets(%dma_start3A_312 : memref<128xi32, #tpu.memory_space<vmem>>) semaphore(%arg14 : memref<!tpu.dma_semaphore, #tpu.memory_space<semaphore_mem>>)
      %add3A_316 = arith.constant 1 : i32
      %add3A_317 = arith.addi %mul3A_184, %add3A_316 : i32
      %mul3A_318 = arith.constant 128 : i32
      %mul3A_319 = arith.muli %add3A_317, %mul3A_318 : i32
      %add3A_320 = arith.addi %mul3A_2, %mul3A_319 : i32
      %dma_wait3A_321 = arith.constant 0 : i32
      %dma_wait3A_322 = tpu.memref_slice %arg4[%add3A_320, %dma_wait3A_321] : memref<425984x32xf32, #tpu.memory_space<hbm>> -> memref<128x32xf32, #tpu.memory_space<hbm>>
      %dma_wait3A_323 = arith.constant 0 : i32
      %dma_wait3A_324 = tpu.memref_slice %arg4[%add3A_320, %dma_wait3A_323] : memref<425984x32xf32, #tpu.memory_space<hbm>> -> memref<128x32xf32, #tpu.memory_space<hbm>>
      tpu.wait_dma2 semaphore(%arg23 : memref<!tpu.dma_semaphore, #tpu.memory_space<semaphore_mem>>) src(%arg7 : memref<128x32xf32, #tpu.memory_space<vmem>>) dst(%dma_wait3A_324 : memref<128x32xf32, #tpu.memory_space<hbm>>)
      %add3A_325 = arith.constant 1 : i32
      %add3A_326 = arith.addi %mul3A_184, %add3A_325 : i32
      %add3A_327 = arith.constant 8 : i32
      %add3A_328 = arith.addi %add3A_326, %add3A_327 : i32
      %mul3A_329 = arith.constant 128 : i32
      %mul3A_330 = arith.muli %add3A_328, %mul3A_329 : i32
      %dma_start3A_331 = tpu.memref_slice %arg5[%mul3A_330] : memref<13312xi32, #tpu.memory_space<vmem>> -> memref<128xi32, #tpu.memory_space<vmem>>
      %dma_start3A_332 = arith.constant 0 : i32
      %dma_start3A_333 = arith.constant 0 : i32
      %dma_start3A_334 = tpu.memref_slice %arg2[%dma_start3A_332, %dma_start3A_333] : memref<1000000x32xf32, #tpu.memory_space<hbm>> -> memref<1000000x32xf32, #tpu.memory_space<hbm>>
      tpu.enqueue_indirect_dma source(%dma_start3A_334 : memref<1000000x32xf32, #tpu.memory_space<hbm>>) target(%arg7 : memref<128x32xf32, #tpu.memory_space<vmem>>) offsets(%dma_start3A_331 : memref<128xi32, #tpu.memory_space<vmem>>) semaphore(%arg15 : memref<!tpu.dma_semaphore, #tpu.memory_space<semaphore_mem>>)
      %add3A_335 = arith.constant 2 : i32
      %add3A_336 = arith.addi %mul3A_184, %add3A_335 : i32
      %mul3A_337 = arith.constant 128 : i32
      %mul3A_338 = arith.muli %add3A_336, %mul3A_337 : i32
      %add3A_339 = arith.addi %mul3A_2, %mul3A_338 : i32
      %dma_wait3A_340 = arith.constant 0 : i32
      %dma_wait3A_341 = tpu.memref_slice %arg4[%add3A_339, %dma_wait3A_340] : memref<425984x32xf32, #tpu.memory_space<hbm>> -> memref<128x32xf32, #tpu.memory_space<hbm>>
      %dma_wait3A_342 = arith.constant 0 : i32
      %dma_wait3A_343 = tpu.memref_slice %arg4[%add3A_339, %dma_wait3A_342] : memref<425984x32xf32, #tpu.memory_space<hbm>> -> memref<128x32xf32, #tpu.memory_space<hbm>>
      tpu.wait_dma2 semaphore(%arg24 : memref<!tpu.dma_semaphore, #tpu.memory_space<semaphore_mem>>) src(%arg8 : memref<128x32xf32, #tpu.memory_space<vmem>>) dst(%dma_wait3A_343 : memref<128x32xf32, #tpu.memory_space<hbm>>)
      %add3A_344 = arith.constant 2 : i32
      %add3A_345 = arith.addi %mul3A_184, %add3A_344 : i32
      %add3A_346 = arith.constant 8 : i32
      %add3A_347 = arith.addi %add3A_345, %add3A_346 : i32
      %mul3A_348 = arith.constant 128 : i32
      %mul3A_349 = arith.muli %add3A_347, %mul3A_348 : i32
      %dma_start3A_350 = tpu.memref_slice %arg5[%mul3A_349] : memref<13312xi32, #tpu.memory_space<vmem>> -> memref<128xi32, #tpu.memory_space<vmem>>
      %dma_start3A_351 = arith.constant 0 : i32
      %dma_start3A_352 = arith.constant 0 : i32
      %dma_start3A_353 = tpu.memref_slice %arg2[%dma_start3A_351, %dma_start3A_352] : memref<1000000x32xf32, #tpu.memory_space<hbm>> -> memref<1000000x32xf32, #tpu.memory_space<hbm>>
      tpu.enqueue_indirect_dma source(%dma_start3A_353 : memref<1000000x32xf32, #tpu.memory_space<hbm>>) target(%arg8 : memref<128x32xf32, #tpu.memory_space<vmem>>) offsets(%dma_start3A_350 : memref<128xi32, #tpu.memory_space<vmem>>) semaphore(%arg16 : memref<!tpu.dma_semaphore, #tpu.memory_space<semaphore_mem>>)
      %add3A_354 = arith.constant 3 : i32
      %add3A_355 = arith.addi %mul3A_184, %add3A_354 : i32
      %mul3A_356 = arith.constant 128 : i32
      %mul3A_357 = arith.muli %add3A_355, %mul3A_356 : i32
      %add3A_358 = arith.addi %mul3A_2, %mul3A_357 : i32
      %dma_wait3A_359 = arith.constant 0 : i32
      %dma_wait3A_360 = tpu.memref_slice %arg4[%add3A_358, %dma_wait3A_359] : memref<425984x32xf32, #tpu.memory_space<hbm>> -> memref<128x32xf32, #tpu.memory_space<hbm>>
      %dma_wait3A_361 = arith.constant 0 : i32
      %dma_wait3A_362 = tpu.memref_slice %arg4[%add3A_358, %dma_wait3A_361] : memref<425984x32xf32, #tpu.memory_space<hbm>> -> memref<128x32xf32, #tpu.memory_space<hbm>>
      tpu.wait_dma2 semaphore(%arg25 : memref<!tpu.dma_semaphore, #tpu.memory_space<semaphore_mem>>) src(%arg9 : memref<128x32xf32, #tpu.memory_space<vmem>>) dst(%dma_wait3A_362 : memref<128x32xf32, #tpu.memory_space<hbm>>)
      %add3A_363 = arith.constant 3 : i32
      %add3A_364 = arith.addi %mul3A_184, %add3A_363 : i32
      %add3A_365 = arith.constant 8 : i32
      %add3A_366 = arith.addi %add3A_364, %add3A_365 : i32
      %mul3A_367 = arith.constant 128 : i32
      %mul3A_368 = arith.muli %add3A_366, %mul3A_367 : i32
      %dma_start3A_369 = tpu.memref_slice %arg5[%mul3A_368] : memref<13312xi32, #tpu.memory_space<vmem>> -> memref<128xi32, #tpu.memory_space<vmem>>
      %dma_start3A_370 = arith.constant 0 : i32
      %dma_start3A_371 = arith.constant 0 : i32
      %dma_start3A_372 = tpu.memref_slice %arg2[%dma_start3A_370, %dma_start3A_371] : memref<1000000x32xf32, #tpu.memory_space<hbm>> -> memref<1000000x32xf32, #tpu.memory_space<hbm>>
      tpu.enqueue_indirect_dma source(%dma_start3A_372 : memref<1000000x32xf32, #tpu.memory_space<hbm>>) target(%arg9 : memref<128x32xf32, #tpu.memory_space<vmem>>) offsets(%dma_start3A_369 : memref<128xi32, #tpu.memory_space<vmem>>) semaphore(%arg17 : memref<!tpu.dma_semaphore, #tpu.memory_space<semaphore_mem>>)
      %add3A_373 = arith.constant 4 : i32
      %add3A_374 = arith.addi %mul3A_184, %add3A_373 : i32
      %mul3A_375 = arith.constant 128 : i32
      %mul3A_376 = arith.muli %add3A_374, %mul3A_375 : i32
      %add3A_377 = arith.addi %mul3A_2, %mul3A_376 : i32
      %dma_wait3A_378 = arith.constant 0 : i32
      %dma_wait3A_379 = tpu.memref_slice %arg4[%add3A_377, %dma_wait3A_378] : memref<425984x32xf32, #tpu.memory_space<hbm>> -> memref<128x32xf32, #tpu.memory_space<hbm>>
      %dma_wait3A_380 = arith.constant 0 : i32
      %dma_wait3A_381 = tpu.memref_slice %arg4[%add3A_377, %dma_wait3A_380] : memref<425984x32xf32, #tpu.memory_space<hbm>> -> memref<128x32xf32, #tpu.memory_space<hbm>>
      tpu.wait_dma2 semaphore(%arg26 : memref<!tpu.dma_semaphore, #tpu.memory_space<semaphore_mem>>) src(%arg10 : memref<128x32xf32, #tpu.memory_space<vmem>>) dst(%dma_wait3A_381 : memref<128x32xf32, #tpu.memory_space<hbm>>)
      %add3A_382 = arith.constant 4 : i32
      %add3A_383 = arith.addi %mul3A_184, %add3A_382 : i32
      %add3A_384 = arith.constant 8 : i32
      %add3A_385 = arith.addi %add3A_383, %add3A_384 : i32
      %mul3A_386 = arith.constant 128 : i32
      %mul3A_387 = arith.muli %add3A_385, %mul3A_386 : i32
      %dma_start3A_388 = tpu.memref_slice %arg5[%mul3A_387] : memref<13312xi32, #tpu.memory_space<vmem>> -> memref<128xi32, #tpu.memory_space<vmem>>
      %dma_start3A_389 = arith.constant 0 : i32
      %dma_start3A_390 = arith.constant 0 : i32
      %dma_start3A_391 = tpu.memref_slice %arg2[%dma_start3A_389, %dma_start3A_390] : memref<1000000x32xf32, #tpu.memory_space<hbm>> -> memref<1000000x32xf32, #tpu.memory_space<hbm>>
      tpu.enqueue_indirect_dma source(%dma_start3A_391 : memref<1000000x32xf32, #tpu.memory_space<hbm>>) target(%arg10 : memref<128x32xf32, #tpu.memory_space<vmem>>) offsets(%dma_start3A_388 : memref<128xi32, #tpu.memory_space<vmem>>) semaphore(%arg18 : memref<!tpu.dma_semaphore, #tpu.memory_space<semaphore_mem>>)
      %add3A_392 = arith.constant 5 : i32
      %add3A_393 = arith.addi %mul3A_184, %add3A_392 : i32
      %mul3A_394 = arith.constant 128 : i32
      %mul3A_395 = arith.muli %add3A_393, %mul3A_394 : i32
      %add3A_396 = arith.addi %mul3A_2, %mul3A_395 : i32
      %dma_wait3A_397 = arith.constant 0 : i32
      %dma_wait3A_398 = tpu.memref_slice %arg4[%add3A_396, %dma_wait3A_397] : memref<425984x32xf32, #tpu.memory_space<hbm>> -> memref<128x32xf32, #tpu.memory_space<hbm>>
      %dma_wait3A_399 = arith.constant 0 : i32
      %dma_wait3A_400 = tpu.memref_slice %arg4[%add3A_396, %dma_wait3A_399] : memref<425984x32xf32, #tpu.memory_space<hbm>> -> memref<128x32xf32, #tpu.memory_space<hbm>>
      tpu.wait_dma2 semaphore(%arg27 : memref<!tpu.dma_semaphore, #tpu.memory_space<semaphore_mem>>) src(%arg11 : memref<128x32xf32, #tpu.memory_space<vmem>>) dst(%dma_wait3A_400 : memref<128x32xf32, #tpu.memory_space<hbm>>)
      %add3A_401 = arith.constant 5 : i32
      %add3A_402 = arith.addi %mul3A_184, %add3A_401 : i32
      %add3A_403 = arith.constant 8 : i32
      %add3A_404 = arith.addi %add3A_402, %add3A_403 : i32
      %mul3A_405 = arith.constant 128 : i32
      %mul3A_406 = arith.muli %add3A_404, %mul3A_405 : i32
      %dma_start3A_407 = tpu.memref_slice %arg5[%mul3A_406] : memref<13312xi32, #tpu.memory_space<vmem>> -> memref<128xi32, #tpu.memory_space<vmem>>
      %dma_start3A_408 = arith.constant 0 : i32
      %dma_start3A_409 = arith.constant 0 : i32
      %dma_start3A_410 = tpu.memref_slice %arg2[%dma_start3A_408, %dma_start3A_409] : memref<1000000x32xf32, #tpu.memory_space<hbm>> -> memref<1000000x32xf32, #tpu.memory_space<hbm>>
      tpu.enqueue_indirect_dma source(%dma_start3A_410 : memref<1000000x32xf32, #tpu.memory_space<hbm>>) target(%arg11 : memref<128x32xf32, #tpu.memory_space<vmem>>) offsets(%dma_start3A_407 : memref<128xi32, #tpu.memory_space<vmem>>) semaphore(%arg19 : memref<!tpu.dma_semaphore, #tpu.memory_space<semaphore_mem>>)
      %add3A_411 = arith.constant 6 : i32
      %add3A_412 = arith.addi %mul3A_184, %add3A_411 : i32
      %mul3A_413 = arith.constant 128 : i32
      %mul3A_414 = arith.muli %add3A_412, %mul3A_413 : i32
      %add3A_415 = arith.addi %mul3A_2, %mul3A_414 : i32
      %dma_wait3A_416 = arith.constant 0 : i32
      %dma_wait3A_417 = tpu.memref_slice %arg4[%add3A_415, %dma_wait3A_416] : memref<425984x32xf32, #tpu.memory_space<hbm>> -> memref<128x32xf32, #tpu.memory_space<hbm>>
      %dma_wait3A_418 = arith.constant 0 : i32
      %dma_wait3A_419 = tpu.memref_slice %arg4[%add3A_415, %dma_wait3A_418] : memref<425984x32xf32, #tpu.memory_space<hbm>> -> memref<128x32xf32, #tpu.memory_space<hbm>>
      tpu.wait_dma2 semaphore(%arg28 : memref<!tpu.dma_semaphore, #tpu.memory_space<semaphore_mem>>) src(%arg12 : memref<128x32xf32, #tpu.memory_space<vmem>>) dst(%dma_wait3A_419 : memref<128x32xf32, #tpu.memory_space<hbm>>)
      %add3A_420 = arith.constant 6 : i32
      %add3A_421 = arith.addi %mul3A_184, %add3A_420 : i32
      %add3A_422 = arith.constant 8 : i32
      %add3A_423 = arith.addi %add3A_421, %add3A_422 : i32
      %mul3A_424 = arith.constant 128 : i32
      %mul3A_425 = arith.muli %add3A_423, %mul3A_424 : i32
      %dma_start3A_426 = tpu.memref_slice %arg5[%mul3A_425] : memref<13312xi32, #tpu.memory_space<vmem>> -> memref<128xi32, #tpu.memory_space<vmem>>
      %dma_start3A_427 = arith.constant 0 : i32
      %dma_start3A_428 = arith.constant 0 : i32
      %dma_start3A_429 = tpu.memref_slice %arg2[%dma_start3A_427, %dma_start3A_428] : memref<1000000x32xf32, #tpu.memory_space<hbm>> -> memref<1000000x32xf32, #tpu.memory_space<hbm>>
      tpu.enqueue_indirect_dma source(%dma_start3A_429 : memref<1000000x32xf32, #tpu.memory_space<hbm>>) target(%arg12 : memref<128x32xf32, #tpu.memory_space<vmem>>) offsets(%dma_start3A_426 : memref<128xi32, #tpu.memory_space<vmem>>) semaphore(%arg20 : memref<!tpu.dma_semaphore, #tpu.memory_space<semaphore_mem>>)
      %add3A_430 = arith.constant 7 : i32
      %add3A_431 = arith.addi %mul3A_184, %add3A_430 : i32
      %mul3A_432 = arith.constant 128 : i32
      %mul3A_433 = arith.muli %add3A_431, %mul3A_432 : i32
      %add3A_434 = arith.addi %mul3A_2, %mul3A_433 : i32
      %dma_wait3A_435 = arith.constant 0 : i32
      %dma_wait3A_436 = tpu.memref_slice %arg4[%add3A_434, %dma_wait3A_435] : memref<425984x32xf32, #tpu.memory_space<hbm>> -> memref<128x32xf32, #tpu.memory_space<hbm>>
      %dma_wait3A_437 = arith.constant 0 : i32
      %dma_wait3A_438 = tpu.memref_slice %arg4[%add3A_434, %dma_wait3A_437] : memref<425984x32xf32, #tpu.memory_space<hbm>> -> memref<128x32xf32, #tpu.memory_space<hbm>>
      tpu.wait_dma2 semaphore(%arg29 : memref<!tpu.dma_semaphore, #tpu.memory_space<semaphore_mem>>) src(%arg13 : memref<128x32xf32, #tpu.memory_space<vmem>>) dst(%dma_wait3A_438 : memref<128x32xf32, #tpu.memory_space<hbm>>)
      %add3A_439 = arith.constant 7 : i32
      %add3A_440 = arith.addi %mul3A_184, %add3A_439 : i32
      %add3A_441 = arith.constant 8 : i32
      %add3A_442 = arith.addi %add3A_440, %add3A_441 : i32
      %mul3A_443 = arith.constant 128 : i32
      %mul3A_444 = arith.muli %add3A_442, %mul3A_443 : i32
      %dma_start3A_445 = tpu.memref_slice %arg5[%mul3A_444] : memref<13312xi32, #tpu.memory_space<vmem>> -> memref<128xi32, #tpu.memory_space<vmem>>
      %dma_start3A_446 = arith.constant 0 : i32
      %dma_start3A_447 = arith.constant 0 : i32
      %dma_start3A_448 = tpu.memref_slice %arg2[%dma_start3A_446, %dma_start3A_447] : memref<1000000x32xf32, #tpu.memory_space<hbm>> -> memref<1000000x32xf32, #tpu.memory_space<hbm>>
      tpu.enqueue_indirect_dma source(%dma_start3A_448 : memref<1000000x32xf32, #tpu.memory_space<hbm>>) target(%arg13 : memref<128x32xf32, #tpu.memory_space<vmem>>) offsets(%dma_start3A_445 : memref<128xi32, #tpu.memory_space<vmem>>) semaphore(%arg21 : memref<!tpu.dma_semaphore, #tpu.memory_space<semaphore_mem>>)
    }
    %scan3A_46 = arith.constant 12 : i32
    %dma_wait3A = arith.constant 0 : i32
    %dma_wait3A_47 = tpu.memref_slice %arg5[%dma_wait3A] : memref<13312xi32, #tpu.memory_space<vmem>> -> memref<128xi32, #tpu.memory_space<vmem>>
    %dma_wait3A_48 = arith.constant 0 : i32
    %dma_wait3A_49 = arith.constant 0 : i32
    %dma_wait3A_50 = tpu.memref_slice %arg2[%dma_wait3A_48, %dma_wait3A_49] : memref<1000000x32xf32, #tpu.memory_space<hbm>> -> memref<1000000x32xf32, #tpu.memory_space<hbm>>
    tpu.wait_indirect_dma semaphore(%arg14 : memref<!tpu.dma_semaphore, #tpu.memory_space<semaphore_mem>>) src(%dma_wait3A_50 : memref<1000000x32xf32, #tpu.memory_space<hbm>>) dst(%arg6 : memref<128x32xf32, #tpu.memory_space<vmem>>)
    %add3A_51 = arith.constant 12288 : i32
    %add3A_52 = arith.addi %mul3A_2, %add3A_51 : i32
    %dma_start3A_53 = arith.constant 0 : i32
    %dma_start3A_54 = tpu.memref_slice %arg4[%add3A_52, %dma_start3A_53] : memref<425984x32xf32, #tpu.memory_space<hbm>> -> memref<128x32xf32, #tpu.memory_space<hbm>>
    %dma_start3A_55 = arith.constant 0 : i32
    %dma_start3A_56 = tpu.memref_slice %arg4[%add3A_52, %dma_start3A_55] : memref<425984x32xf32, #tpu.memory_space<hbm>> -> memref<128x32xf32, #tpu.memory_space<hbm>>
    tpu.enqueue_dma source(%arg6 : memref<128x32xf32, #tpu.memory_space<vmem>>) target(%dma_start3A_56 : memref<128x32xf32, #tpu.memory_space<hbm>>) target_semaphore(%arg22 : memref<!tpu.dma_semaphore, #tpu.memory_space<semaphore_mem>>)
    %dma_wait3A_57 = arith.constant 0 : i32
    %dma_wait3A_58 = tpu.memref_slice %arg5[%dma_wait3A_57] : memref<13312xi32, #tpu.memory_space<vmem>> -> memref<128xi32, #tpu.memory_space<vmem>>
    %dma_wait3A_59 = arith.constant 0 : i32
    %dma_wait3A_60 = arith.constant 0 : i32
    %dma_wait3A_61 = tpu.memref_slice %arg2[%dma_wait3A_59, %dma_wait3A_60] : memref<1000000x32xf32, #tpu.memory_space<hbm>> -> memref<1000000x32xf32, #tpu.memory_space<hbm>>
    tpu.wait_indirect_dma semaphore(%arg15 : memref<!tpu.dma_semaphore, #tpu.memory_space<semaphore_mem>>) src(%dma_wait3A_61 : memref<1000000x32xf32, #tpu.memory_space<hbm>>) dst(%arg7 : memref<128x32xf32, #tpu.memory_space<vmem>>)
    %add3A_62 = arith.constant 12416 : i32
    %add3A_63 = arith.addi %mul3A_2, %add3A_62 : i32
    %dma_start3A_64 = arith.constant 0 : i32
    %dma_start3A_65 = tpu.memref_slice %arg4[%add3A_63, %dma_start3A_64] : memref<425984x32xf32, #tpu.memory_space<hbm>> -> memref<128x32xf32, #tpu.memory_space<hbm>>
    %dma_start3A_66 = arith.constant 0 : i32
    %dma_start3A_67 = tpu.memref_slice %arg4[%add3A_63, %dma_start3A_66] : memref<425984x32xf32, #tpu.memory_space<hbm>> -> memref<128x32xf32, #tpu.memory_space<hbm>>
    tpu.enqueue_dma source(%arg7 : memref<128x32xf32, #tpu.memory_space<vmem>>) target(%dma_start3A_67 : memref<128x32xf32, #tpu.memory_space<hbm>>) target_semaphore(%arg23 : memref<!tpu.dma_semaphore, #tpu.memory_space<semaphore_mem>>)
    %dma_wait3A_68 = arith.constant 0 : i32
    %dma_wait3A_69 = tpu.memref_slice %arg5[%dma_wait3A_68] : memref<13312xi32, #tpu.memory_space<vmem>> -> memref<128xi32, #tpu.memory_space<vmem>>
    %dma_wait3A_70 = arith.constant 0 : i32
    %dma_wait3A_71 = arith.constant 0 : i32
    %dma_wait3A_72 = tpu.memref_slice %arg2[%dma_wait3A_70, %dma_wait3A_71] : memref<1000000x32xf32, #tpu.memory_space<hbm>> -> memref<1000000x32xf32, #tpu.memory_space<hbm>>
    tpu.wait_indirect_dma semaphore(%arg16 : memref<!tpu.dma_semaphore, #tpu.memory_space<semaphore_mem>>) src(%dma_wait3A_72 : memref<1000000x32xf32, #tpu.memory_space<hbm>>) dst(%arg8 : memref<128x32xf32, #tpu.memory_space<vmem>>)
    %add3A_73 = arith.constant 12544 : i32
    %add3A_74 = arith.addi %mul3A_2, %add3A_73 : i32
    %dma_start3A_75 = arith.constant 0 : i32
    %dma_start3A_76 = tpu.memref_slice %arg4[%add3A_74, %dma_start3A_75] : memref<425984x32xf32, #tpu.memory_space<hbm>> -> memref<128x32xf32, #tpu.memory_space<hbm>>
    %dma_start3A_77 = arith.constant 0 : i32
    %dma_start3A_78 = tpu.memref_slice %arg4[%add3A_74, %dma_start3A_77] : memref<425984x32xf32, #tpu.memory_space<hbm>> -> memref<128x32xf32, #tpu.memory_space<hbm>>
    tpu.enqueue_dma source(%arg8 : memref<128x32xf32, #tpu.memory_space<vmem>>) target(%dma_start3A_78 : memref<128x32xf32, #tpu.memory_space<hbm>>) target_semaphore(%arg24 : memref<!tpu.dma_semaphore, #tpu.memory_space<semaphore_mem>>)
    %dma_wait3A_79 = arith.constant 0 : i32
    %dma_wait3A_80 = tpu.memref_slice %arg5[%dma_wait3A_79] : memref<13312xi32, #tpu.memory_space<vmem>> -> memref<128xi32, #tpu.memory_space<vmem>>
    %dma_wait3A_81 = arith.constant 0 : i32
    %dma_wait3A_82 = arith.constant 0 : i32
    %dma_wait3A_83 = tpu.memref_slice %arg2[%dma_wait3A_81, %dma_wait3A_82] : memref<1000000x32xf32, #tpu.memory_space<hbm>> -> memref<1000000x32xf32, #tpu.memory_space<hbm>>
    tpu.wait_indirect_dma semaphore(%arg17 : memref<!tpu.dma_semaphore, #tpu.memory_space<semaphore_mem>>) src(%dma_wait3A_83 : memref<1000000x32xf32, #tpu.memory_space<hbm>>) dst(%arg9 : memref<128x32xf32, #tpu.memory_space<vmem>>)
    %add3A_84 = arith.constant 12672 : i32
    %add3A_85 = arith.addi %mul3A_2, %add3A_84 : i32
    %dma_start3A_86 = arith.constant 0 : i32
    %dma_start3A_87 = tpu.memref_slice %arg4[%add3A_85, %dma_start3A_86] : memref<425984x32xf32, #tpu.memory_space<hbm>> -> memref<128x32xf32, #tpu.memory_space<hbm>>
    %dma_start3A_88 = arith.constant 0 : i32
    %dma_start3A_89 = tpu.memref_slice %arg4[%add3A_85, %dma_start3A_88] : memref<425984x32xf32, #tpu.memory_space<hbm>> -> memref<128x32xf32, #tpu.memory_space<hbm>>
    tpu.enqueue_dma source(%arg9 : memref<128x32xf32, #tpu.memory_space<vmem>>) target(%dma_start3A_89 : memref<128x32xf32, #tpu.memory_space<hbm>>) target_semaphore(%arg25 : memref<!tpu.dma_semaphore, #tpu.memory_space<semaphore_mem>>)
    %dma_wait3A_90 = arith.constant 0 : i32
    %dma_wait3A_91 = tpu.memref_slice %arg5[%dma_wait3A_90] : memref<13312xi32, #tpu.memory_space<vmem>> -> memref<128xi32, #tpu.memory_space<vmem>>
    %dma_wait3A_92 = arith.constant 0 : i32
    %dma_wait3A_93 = arith.constant 0 : i32
    %dma_wait3A_94 = tpu.memref_slice %arg2[%dma_wait3A_92, %dma_wait3A_93] : memref<1000000x32xf32, #tpu.memory_space<hbm>> -> memref<1000000x32xf32, #tpu.memory_space<hbm>>
    tpu.wait_indirect_dma semaphore(%arg18 : memref<!tpu.dma_semaphore, #tpu.memory_space<semaphore_mem>>) src(%dma_wait3A_94 : memref<1000000x32xf32, #tpu.memory_space<hbm>>) dst(%arg10 : memref<128x32xf32, #tpu.memory_space<vmem>>)
    %add3A_95 = arith.constant 12800 : i32
    %add3A_96 = arith.addi %mul3A_2, %add3A_95 : i32
    %dma_start3A_97 = arith.constant 0 : i32
    %dma_start3A_98 = tpu.memref_slice %arg4[%add3A_96, %dma_start3A_97] : memref<425984x32xf32, #tpu.memory_space<hbm>> -> memref<128x32xf32, #tpu.memory_space<hbm>>
    %dma_start3A_99 = arith.constant 0 : i32
    %dma_start3A_100 = tpu.memref_slice %arg4[%add3A_96, %dma_start3A_99] : memref<425984x32xf32, #tpu.memory_space<hbm>> -> memref<128x32xf32, #tpu.memory_space<hbm>>
    tpu.enqueue_dma source(%arg10 : memref<128x32xf32, #tpu.memory_space<vmem>>) target(%dma_start3A_100 : memref<128x32xf32, #tpu.memory_space<hbm>>) target_semaphore(%arg26 : memref<!tpu.dma_semaphore, #tpu.memory_space<semaphore_mem>>)
    %dma_wait3A_101 = arith.constant 0 : i32
    %dma_wait3A_102 = tpu.memref_slice %arg5[%dma_wait3A_101] : memref<13312xi32, #tpu.memory_space<vmem>> -> memref<128xi32, #tpu.memory_space<vmem>>
    %dma_wait3A_103 = arith.constant 0 : i32
    %dma_wait3A_104 = arith.constant 0 : i32
    %dma_wait3A_105 = tpu.memref_slice %arg2[%dma_wait3A_103, %dma_wait3A_104] : memref<1000000x32xf32, #tpu.memory_space<hbm>> -> memref<1000000x32xf32, #tpu.memory_space<hbm>>
    tpu.wait_indirect_dma semaphore(%arg19 : memref<!tpu.dma_semaphore, #tpu.memory_space<semaphore_mem>>) src(%dma_wait3A_105 : memref<1000000x32xf32, #tpu.memory_space<hbm>>) dst(%arg11 : memref<128x32xf32, #tpu.memory_space<vmem>>)
    %add3A_106 = arith.constant 12928 : i32
    %add3A_107 = arith.addi %mul3A_2, %add3A_106 : i32
    %dma_start3A_108 = arith.constant 0 : i32
    %dma_start3A_109 = tpu.memref_slice %arg4[%add3A_107, %dma_start3A_108] : memref<425984x32xf32, #tpu.memory_space<hbm>> -> memref<128x32xf32, #tpu.memory_space<hbm>>
    %dma_start3A_110 = arith.constant 0 : i32
    %dma_start3A_111 = tpu.memref_slice %arg4[%add3A_107, %dma_start3A_110] : memref<425984x32xf32, #tpu.memory_space<hbm>> -> memref<128x32xf32, #tpu.memory_space<hbm>>
    tpu.enqueue_dma source(%arg11 : memref<128x32xf32, #tpu.memory_space<vmem>>) target(%dma_start3A_111 : memref<128x32xf32, #tpu.memory_space<hbm>>) target_semaphore(%arg27 : memref<!tpu.dma_semaphore, #tpu.memory_space<semaphore_mem>>)
    %dma_wait3A_112 = arith.constant 0 : i32
    %dma_wait3A_113 = tpu.memref_slice %arg5[%dma_wait3A_112] : memref<13312xi32, #tpu.memory_space<vmem>> -> memref<128xi32, #tpu.memory_space<vmem>>
    %dma_wait3A_114 = arith.constant 0 : i32
    %dma_wait3A_115 = arith.constant 0 : i32
    %dma_wait3A_116 = tpu.memref_slice %arg2[%dma_wait3A_114, %dma_wait3A_115] : memref<1000000x32xf32, #tpu.memory_space<hbm>> -> memref<1000000x32xf32, #tpu.memory_space<hbm>>
    tpu.wait_indirect_dma semaphore(%arg20 : memref<!tpu.dma_semaphore, #tpu.memory_space<semaphore_mem>>) src(%dma_wait3A_116 : memref<1000000x32xf32, #tpu.memory_space<hbm>>) dst(%arg12 : memref<128x32xf32, #tpu.memory_space<vmem>>)
    %add3A_117 = arith.constant 13056 : i32
    %add3A_118 = arith.addi %mul3A_2, %add3A_117 : i32
    %dma_start3A_119 = arith.constant 0 : i32
    %dma_start3A_120 = tpu.memref_slice %arg4[%add3A_118, %dma_start3A_119] : memref<425984x32xf32, #tpu.memory_space<hbm>> -> memref<128x32xf32, #tpu.memory_space<hbm>>
    %dma_start3A_121 = arith.constant 0 : i32
    %dma_start3A_122 = tpu.memref_slice %arg4[%add3A_118, %dma_start3A_121] : memref<425984x32xf32, #tpu.memory_space<hbm>> -> memref<128x32xf32, #tpu.memory_space<hbm>>
    tpu.enqueue_dma source(%arg12 : memref<128x32xf32, #tpu.memory_space<vmem>>) target(%dma_start3A_122 : memref<128x32xf32, #tpu.memory_space<hbm>>) target_semaphore(%arg28 : memref<!tpu.dma_semaphore, #tpu.memory_space<semaphore_mem>>)
    %dma_wait3A_123 = arith.constant 0 : i32
    %dma_wait3A_124 = tpu.memref_slice %arg5[%dma_wait3A_123] : memref<13312xi32, #tpu.memory_space<vmem>> -> memref<128xi32, #tpu.memory_space<vmem>>
    %dma_wait3A_125 = arith.constant 0 : i32
    %dma_wait3A_126 = arith.constant 0 : i32
    %dma_wait3A_127 = tpu.memref_slice %arg2[%dma_wait3A_125, %dma_wait3A_126] : memref<1000000x32xf32, #tpu.memory_space<hbm>> -> memref<1000000x32xf32, #tpu.memory_space<hbm>>
    tpu.wait_indirect_dma semaphore(%arg21 : memref<!tpu.dma_semaphore, #tpu.memory_space<semaphore_mem>>) src(%dma_wait3A_127 : memref<1000000x32xf32, #tpu.memory_space<hbm>>) dst(%arg13 : memref<128x32xf32, #tpu.memory_space<vmem>>)
    %add3A_128 = arith.constant 13184 : i32
    %add3A_129 = arith.addi %mul3A_2, %add3A_128 : i32
    %dma_start3A_130 = arith.constant 0 : i32
    %dma_start3A_131 = tpu.memref_slice %arg4[%add3A_129, %dma_start3A_130] : memref<425984x32xf32, #tpu.memory_space<hbm>> -> memref<128x32xf32, #tpu.memory_space<hbm>>
    %dma_start3A_132 = arith.constant 0 : i32
    %dma_start3A_133 = tpu.memref_slice %arg4[%add3A_129, %dma_start3A_132] : memref<425984x32xf32, #tpu.memory_space<hbm>> -> memref<128x32xf32, #tpu.memory_space<hbm>>
    tpu.enqueue_dma source(%arg13 : memref<128x32xf32, #tpu.memory_space<vmem>>) target(%dma_start3A_133 : memref<128x32xf32, #tpu.memory_space<hbm>>) target_semaphore(%arg29 : memref<!tpu.dma_semaphore, #tpu.memory_space<semaphore_mem>>)
    %add3A_134 = arith.constant 12288 : i32
    %add3A_135 = arith.addi %mul3A_2, %add3A_134 : i32
    %dma_wait3A_136 = arith.constant 0 : i32
    %dma_wait3A_137 = tpu.memref_slice %arg4[%add3A_135, %dma_wait3A_136] : memref<425984x32xf32, #tpu.memory_space<hbm>> -> memref<128x32xf32, #tpu.memory_space<hbm>>
    %dma_wait3A_138 = arith.constant 0 : i32
    %dma_wait3A_139 = tpu.memref_slice %arg4[%add3A_135, %dma_wait3A_138] : memref<425984x32xf32, #tpu.memory_space<hbm>> -> memref<128x32xf32, #tpu.memory_space<hbm>>
    tpu.wait_dma2 semaphore(%arg22 : memref<!tpu.dma_semaphore, #tpu.memory_space<semaphore_mem>>) src(%arg6 : memref<128x32xf32, #tpu.memory_space<vmem>>) dst(%dma_wait3A_139 : memref<128x32xf32, #tpu.memory_space<hbm>>)
    %add3A_140 = arith.constant 12416 : i32
    %add3A_141 = arith.addi %mul3A_2, %add3A_140 : i32
    %dma_wait3A_142 = arith.constant 0 : i32
    %dma_wait3A_143 = tpu.memref_slice %arg4[%add3A_141, %dma_wait3A_142] : memref<425984x32xf32, #tpu.memory_space<hbm>> -> memref<128x32xf32, #tpu.memory_space<hbm>>
    %dma_wait3A_144 = arith.constant 0 : i32
    %dma_wait3A_145 = tpu.memref_slice %arg4[%add3A_141, %dma_wait3A_144] : memref<425984x32xf32, #tpu.memory_space<hbm>> -> memref<128x32xf32, #tpu.memory_space<hbm>>
    tpu.wait_dma2 semaphore(%arg23 : memref<!tpu.dma_semaphore, #tpu.memory_space<semaphore_mem>>) src(%arg7 : memref<128x32xf32, #tpu.memory_space<vmem>>) dst(%dma_wait3A_145 : memref<128x32xf32, #tpu.memory_space<hbm>>)
    %add3A_146 = arith.constant 12544 : i32
    %add3A_147 = arith.addi %mul3A_2, %add3A_146 : i32
    %dma_wait3A_148 = arith.constant 0 : i32
    %dma_wait3A_149 = tpu.memref_slice %arg4[%add3A_147, %dma_wait3A_148] : memref<425984x32xf32, #tpu.memory_space<hbm>> -> memref<128x32xf32, #tpu.memory_space<hbm>>
    %dma_wait3A_150 = arith.constant 0 : i32
    %dma_wait3A_151 = tpu.memref_slice %arg4[%add3A_147, %dma_wait3A_150] : memref<425984x32xf32, #tpu.memory_space<hbm>> -> memref<128x32xf32, #tpu.memory_space<hbm>>
    tpu.wait_dma2 semaphore(%arg24 : memref<!tpu.dma_semaphore, #tpu.memory_space<semaphore_mem>>) src(%arg8 : memref<128x32xf32, #tpu.memory_space<vmem>>) dst(%dma_wait3A_151 : memref<128x32xf32, #tpu.memory_space<hbm>>)
    %add3A_152 = arith.constant 12672 : i32
    %add3A_153 = arith.addi %mul3A_2, %add3A_152 : i32
    %dma_wait3A_154 = arith.constant 0 : i32
    %dma_wait3A_155 = tpu.memref_slice %arg4[%add3A_153, %dma_wait3A_154] : memref<425984x32xf32, #tpu.memory_space<hbm>> -> memref<128x32xf32, #tpu.memory_space<hbm>>
    %dma_wait3A_156 = arith.constant 0 : i32
    %dma_wait3A_157 = tpu.memref_slice %arg4[%add3A_153, %dma_wait3A_156] : memref<425984x32xf32, #tpu.memory_space<hbm>> -> memref<128x32xf32, #tpu.memory_space<hbm>>
    tpu.wait_dma2 semaphore(%arg25 : memref<!tpu.dma_semaphore, #tpu.memory_space<semaphore_mem>>) src(%arg9 : memref<128x32xf32, #tpu.memory_space<vmem>>) dst(%dma_wait3A_157 : memref<128x32xf32, #tpu.memory_space<hbm>>)
    %add3A_158 = arith.constant 12800 : i32
    %add3A_159 = arith.addi %mul3A_2, %add3A_158 : i32
    %dma_wait3A_160 = arith.constant 0 : i32
    %dma_wait3A_161 = tpu.memref_slice %arg4[%add3A_159, %dma_wait3A_160] : memref<425984x32xf32, #tpu.memory_space<hbm>> -> memref<128x32xf32, #tpu.memory_space<hbm>>
    %dma_wait3A_162 = arith.constant 0 : i32
    %dma_wait3A_163 = tpu.memref_slice %arg4[%add3A_159, %dma_wait3A_162] : memref<425984x32xf32, #tpu.memory_space<hbm>> -> memref<128x32xf32, #tpu.memory_space<hbm>>
    tpu.wait_dma2 semaphore(%arg26 : memref<!tpu.dma_semaphore, #tpu.memory_space<semaphore_mem>>) src(%arg10 : memref<128x32xf32, #tpu.memory_space<vmem>>) dst(%dma_wait3A_163 : memref<128x32xf32, #tpu.memory_space<hbm>>)
    %add3A_164 = arith.constant 12928 : i32
    %add3A_165 = arith.addi %mul3A_2, %add3A_164 : i32
    %dma_wait3A_166 = arith.constant 0 : i32
    %dma_wait3A_167 = tpu.memref_slice %arg4[%add3A_165, %dma_wait3A_166] : memref<425984x32xf32, #tpu.memory_space<hbm>> -> memref<128x32xf32, #tpu.memory_space<hbm>>
    %dma_wait3A_168 = arith.constant 0 : i32
    %dma_wait3A_169 = tpu.memref_slice %arg4[%add3A_165, %dma_wait3A_168] : memref<425984x32xf32, #tpu.memory_space<hbm>> -> memref<128x32xf32, #tpu.memory_space<hbm>>
    tpu.wait_dma2 semaphore(%arg27 : memref<!tpu.dma_semaphore, #tpu.memory_space<semaphore_mem>>) src(%arg11 : memref<128x32xf32, #tpu.memory_space<vmem>>) dst(%dma_wait3A_169 : memref<128x32xf32, #tpu.memory_space<hbm>>)
    %add3A_170 = arith.constant 13056 : i32
    %add3A_171 = arith.addi %mul3A_2, %add3A_170 : i32
    %dma_wait3A_172 = arith.constant 0 : i32
    %dma_wait3A_173 = tpu.memref_slice %arg4[%add3A_171, %dma_wait3A_172] : memref<425984x32xf32, #tpu.memory_space<hbm>> -> memref<128x32xf32, #tpu.memory_space<hbm>>
    %dma_wait3A_174 = arith.constant 0 : i32
    %dma_wait3A_175 = tpu.memref_slice %arg4[%add3A_171, %dma_wait3A_174] : memref<425984x32xf32, #tpu.memory_space<hbm>> -> memref<128x32xf32, #tpu.memory_space<hbm>>
    tpu.wait_dma2 semaphore(%arg28 : memref<!tpu.dma_semaphore, #tpu.memory_space<semaphore_mem>>) src(%arg12 : memref<128x32xf32, #tpu.memory_space<vmem>>) dst(%dma_wait3A_175 : memref<128x32xf32, #tpu.memory_space<hbm>>)
    %add3A_176 = arith.constant 13184 : i32
    %add3A_177 = arith.addi %mul3A_2, %add3A_176 : i32
    %dma_wait3A_178 = arith.constant 0 : i32
    %dma_wait3A_179 = tpu.memref_slice %arg4[%add3A_177, %dma_wait3A_178] : memref<425984x32xf32, #tpu.memory_space<hbm>> -> memref<128x32xf32, #tpu.memory_space<hbm>>
    %dma_wait3A_180 = arith.constant 0 : i32
    %dma_wait3A_181 = tpu.memref_slice %arg4[%add3A_177, %dma_wait3A_180] : memref<425984x32xf32, #tpu.memory_space<hbm>> -> memref<128x32xf32, #tpu.memory_space<hbm>>
    tpu.wait_dma2 semaphore(%arg29 : memref<!tpu.dma_semaphore, #tpu.memory_space<semaphore_mem>>) src(%arg13 : memref<128x32xf32, #tpu.memory_space<vmem>>) dst(%dma_wait3A_181 : memref<128x32xf32, #tpu.memory_space<hbm>>)
    return
  }
}

</mosaic_0001>

<sc_bundles>
// kernel: _gather_sc.3.cloned.1.call-start
scs
__scs_entry_jumppad:
0x0: {  	(pc) =	sbr.rel $0x88, $3  }
0x1: {  	(tag) =	ssettag $0x0;
	lr =	simm.s32 $0x1  }
0x2: {  	[smem:$0x3F9F] =	sst lr;
	_ =	strace $0xD0000000  }
0x3: {  	_ = 	snop  }
0x4: {  	_ = 	snop  }
0x5: {  	_ = 	snop  }
0x6: {  	_ = 	snop  }
0x7: {  	_ = 	snop  }
__scs_overlays_trampoline_lowered:
0x8: {  	[smem:$0x3FAE] =	sst s0  }
0x9: {  	[smem:$0x3FAF] =	sst s1  }
0xa: {  	[smem:$0x3FB0] =	sst s2  }
0xb: {  	[smem:$0x3FB1] =	sst s3  }
0xc: {  	[smem:$0x3FB2] =	sst s4  }
0xd: {  	[smem:$0x3FB3] =	sst s5  }
0xe: {  	[smem:$0x3FB4] =	sst s6  }
0xf: {  	[smem:$0x3FB5] =	sst s7  }
0x10: {  	[smem:$0x3FB6] =	sst s8  }
0x11: {  	[smem:$0x3FB7] =	sst s9;
	s0 =	simm.s32 @!p0 $0x0  }
0x12: {  	s1 =	sld [smem:$0x3F9D];
	s0 =	simm.s32 @p0 $0x1  }
0x13: {  	[smem:$0x3FB8] =	sst s0;
	s0 =	simm.s32 @!p1 $0x0  }
0x14: {  	s2 =	sld [smem:$0x3F9C];
	s0 =	simm.s32 @p1 $0x1  }
0x15: {  	[smem:$0x3FB9] =	sst s0;
	s0 =	simm.s32 @!p2 $0x0  }
0x16: {  	s3 =	sld [smem:$0x3FDB];
	s0 =	simm.s32 @p2 $0x1  }
0x17: {  	s4 =	simm.s32 $0x1BF5;
	[smem:$0x3FBB] =	sst s0  }
0x18: {  	s0 =	sld [smem:$0x3F9E];
	_ =	swait.ge [sflag:s4], $0x0  }
0x19: {  	s7 =	sld [smem:$0x3F9F]  }
0x1a: {  	s8 =	sadd.s32 $0xFFFFE003, lr  }
0x1b: {  	s9 =	sadd.s32 $0xFFFFFEF7, lr;
	s5 =	simm.s32 $0xFFFFFFFF;
	p2 =	slt.u32 s8, $0xFFFFF086  }
0x1c: {  	p1 =	slt.u32 s9, $0xF7A;
	s5 =	simm.s32 @!p2 $0x0  }
0x1d: {  	s5 =	simm.s32 @p1 $0x1;
	p0 =	seq.s32 s7, s2  }
0x1e: {  	s7 =	smul.u32 @!p0 $0xF7A, s2;
	p2 =	seq.s32 @!p0 s5, $0x0  }
0x1f: {  	s9 =	smul.u32 $0xF7A, s1;
	s8 =	simm.s32 @!p0 $0x1BF5;
	p2 =	por !p2, p0  }
0x20: {  	[sflag:s8] =	ssyncset.s32 @!p0 $0xFFFFF086;
	s6 =	sadd.s32 @!p0 s3, s7;
	s7 =	simm.s32 @!p0 $0x108  }
0x21: {  	s3 =	sadd.s32 s3, s9;
	s6 =	sadd.s32 @!p0 $0x88, s6;
	s7 =	simm.s32 @p2 $0x1082  }
0x22: {  	[simem:s7], [sflag:s8] =	dma.local @!p0 [hbm:s6], $0xF7A  }
0x23: {  	s9 =	sor.u32 $0xD0000000, s2;
	s6 =	simm.s32 $0x108;
	_ =	swait.ge @!p0 [sflag:s8], $0x0  }
0x24: {  	s3 =	sadd.s32 $0x88, s3;
	s6 =	simm.s32 @!p1 $0x1082;
	[sflag:s4] =	ssyncset.s32 $0xFFFFF086  }
0x25: {  	[simem:s6], [sflag:s4] =	dma.local [hbm:s3], $0xF7A  }
0x26: {  	[smem:$0x3F9F] =	sst s1;
	(tag) =	ssettag s2;
	_ =	strace s9  }
0x27: {  	s1 =	sld [smem:$0x3FAF]  }
0x28: {  	s2 =	sld [smem:$0x3FB0]  }
0x29: {  	s4 =	sld [smem:$0x3FB2]  }
0x2a: {  	p0 =	seq.s32 s5, $0x0;
	s5 =	sld [smem:$0x3FB3]  }
0x2b: {  	s6 =	sld [smem:$0x3FB4]  }
0x2c: {  	s7 =	sld [smem:$0x3FB5]  }
0x2d: {  	s3 =	simm.s32 $0x108;
	s8 =	sld [smem:$0x3FB6]  }
0x2e: {  	s3 =	simm.s32 @!p0 $0x1082;
	s9 =	sld [smem:$0x3FB7]  }
0x2f: {  	lr =	sadd.s32 s0, s3;
	s0 =	sld [smem:$0x3FAE]  }
0x30: {  	s3 =	sld [smem:$0x3FB1]  }
0x31: {  	[smem:$0x3FBA] =	sst s10  }
0x32: {  	s10 =	sld [smem:$0x3FB8];
	_ =	sdelay $0x3  }
0x33: {  	p0 =	seq.s32 s10, $0x1;
	s10 =	sld [smem:$0x3FBA];
	_ =	sdelay $0x3  }
0x34: {  	[smem:$0x3FBA] =	sst s10  }
0x35: {  	s10 =	sld [smem:$0x3FB9];
	_ =	sdelay $0x3  }
0x36: {  	p1 =	seq.s32 s10, $0x1;
	s10 =	sld [smem:$0x3FBA];
	_ =	sdelay $0x3  }
0x37: {  	[smem:$0x3FBA] =	sst s10  }
0x38: {  	s10 =	sld [smem:$0x3FBB]  }
0x39: {  	_ = 	snop;
	(pc) =	sbr.ind lr, $3  }
0x3a: {  	_ = 	snop  }
0x3b: {  	_ = 	snop  }
0x3c: {  	p2 =	seq.s32 s10, $0x1;
	s10 =	sld [smem:$0x3FBA]  }
0x3d: {  	_ =	shalt  }
0x3e: {  	_ =	shalt  }
0x3f: {  	_ =	shalt  }
0x40: {  	_ =	shalt  }
0x41: {  	_ =	shalt  }
0x42: {  	_ =	shalt  }
0x43: {  	_ =	shalt  }
0x44: {  	_ =	shalt  }
0x45: {  	_ =	shalt  }
0x46: {  	_ =	shalt  }
0x47: {  	_ =	shalt  }
0x48: {  	_ =	shalt  }
0x49: {  	_ =	shalt  }
0x4a: {  	_ =	shalt  }
0x4b: {  	_ =	shalt  }
0x4c: {  	_ =	shalt  }
0x4d: {  	_ =	shalt  }
0x4e: {  	_ =	shalt  }
0x4f: {  	_ =	shalt  }
0x50: {  	_ =	shalt  }
0x51: {  	_ =	shalt  }
0x52: {  	_ =	shalt  }
0x53: {  	_ =	shalt  }
0x54: {  	_ =	shalt  }
0x55: {  	_ =	shalt  }
0x56: {  	_ =	shalt  }
0x57: {  	_ =	shalt  }
0x58: {  	_ =	shalt  }
0x59: {  	_ =	shalt  }
0x5a: {  	_ =	shalt  }
0x5b: {  	_ =	shalt  }
0x5c: {  	_ =	shalt  }
0x5d: {  	_ =	shalt  }
0x5e: {  	_ =	shalt  }
0x5f: {  	_ =	shalt  }
0x60: {  	_ =	shalt  }
0x61: {  	_ =	shalt  }
0x62: {  	_ =	shalt  }
0x63: {  	_ =	shalt  }
0x64: {  	_ =	shalt  }
0x65: {  	_ =	shalt  }
0x66: {  	_ =	shalt  }
0x67: {  	_ =	shalt  }
0x68: {  	_ =	shalt  }
0x69: {  	_ =	shalt  }
0x6a: {  	_ =	shalt  }
0x6b: {  	_ =	shalt  }
0x6c: {  	_ =	shalt  }
0x6d: {  	_ =	shalt  }
0x6e: {  	_ =	shalt  }
0x6f: {  	_ =	shalt  }
0x70: {  	_ =	shalt  }
0x71: {  	_ =	shalt  }
0x72: {  	_ =	shalt  }
0x73: {  	_ =	shalt  }
0x74: {  	_ =	shalt  }
0x75: {  	_ =	shalt  }
0x76: {  	_ =	shalt  }
0x77: {  	_ =	shalt  }
0x78: {  	_ =	shalt  }
0x79: {  	_ =	shalt  }
0x7a: {  	_ =	shalt  }
0x7b: {  	_ =	shalt  }
0x7c: {  	_ =	shalt  }
0x7d: {  	_ =	shalt  }
0x7e: {  	_ =	shalt  }
0x7f: {  	_ =	shalt  }
0x80: {  	_ =	shalt  }
0x81: {  	_ =	shalt  }
0x82: {  	_ =	shalt  }
0x83: {  	_ =	shalt  }
0x84: {  	_ =	shalt  }
0x85: {  	_ =	shalt  }
0x86: {  	_ =	shalt  }
0x87: {  	_ =	shalt  }
.Lfunc_end0:
.L_simem_size_0:
called_computation.1_lowered:
.L_overlay_start_0:
0x88: {  	s2 =	sld [smem:$0x3FD9]  }
0x89: {  	s3 =	sld [smem:$0x3FFE];
	_ =	sdelay $0x1  }
0x8a: {  	s1 =	srdreg.scid  }
0x8b: {  	s0 =	sand.u32 $0x1, s1  }
0x8c: {  	s17 =	sshll.u32 s0, $0xA;
	s2 =	sadd.s32 s3, s2  }
0x8d: {  	s2 =	sadd.s32 s2, s17  }
0x8e: {  	[smem:$0x3FC6] =	sst s2  }
0x8f: {  	_ = 	snop  }
0x90: {  	s2 =	sld [smem:$0x3FC8]  }
0x91: {  	s18 =	sld [smem:$0x3FD0];
	(tm) =	ssettm $0x1  }
0x92: {  	s4 =	sld [smem:$0x3FFB];
	_ =	sdelay $0x3  }
0x93: {  	_ =	strace s4  }
0x94: {  	s4 =	sld [smem:$0x3FFC];
	_ =	sdelay $0x3  }
0x95: {  	_ =	strace s4  }
0x96: {  	s4 =	sld [smem:$0x3FFD];
	_ =	sdelay $0x3  }
0x97: {  	_ =	strace s4  }
0x98: {  	_ =	strace $0x8FFFFFFF  }
0x99: {  	s19 =	sld [smem:$0x3FDB];
	_ =	sdelay $0x1  }
0x9a: {  	s5 =	simm.s32 $_scs_section_size  }
0x9b: {  	s6 =	simm.s32 $_size__tile_overlayer_lowered;
	s7 =	simm.s32 $_tile_overlayer_lowered  }
0x9c: {  	s22 =	simm.s32 $0x1BFF;
	s21 =	sshll.u32 s7, $0x1;
	s4 =	sadd.s32 s5, s19  }
0x9d: {  	s8 =	simm.s32 $0x0;
	s20 =	sshll.u32 s6, $0x1;
	s6 =	sadd.s32 s21, s4  }
0x9e: {  	[timem:s8], [sflag:s22] =	dma.local [hbm:s6], s20  }
0x9f: {  	_ =	swait.ge [sflag:s22], s20  }
0xa0: {  	s5 =	ssub.s32 $0x0, s20;
	[sflag:s22] =	ssyncset.done $0x0  }
0xa1: {  	[sflag:s22] =	ssyncadd.s32 s5;
	_ =	sdelay $0x1  }
0xa2: {  	s23 =	simm.s32 $0x1B8B  }
0xa3: {  	_ =	swait.ge [sflag:s23], $0x1  }
0xa4: {  	[sflag:s23] =	ssyncset.done $0x0  }
0xa5: {  	s25 =	simm.s32 $0x1B8E;
	s24 =	sld [smem:$0x3FFE];
	[sflag:s23] =	ssyncadd.s32 $0xFFFFFFFF  }
0xa6: {  	s26 =	simm.s32 $execute0_lowered;
	[smem:$0x3FD2] =	sst s25  }
0xa7: {  	s6 =	sshll.u32 s26, $0x1;
	_ =	strace $0x80000046;
	[dreg:$0x1] =	wrdreg $0xFFFFFFFF  }
0xa8: {  	s28 =	simm.s32 $_size_execute0_lowered;
	s4 =	sadd.s32 s4, s6;
	[dreg:$0x0] =	wrdreg $0x0  }
0xa9: {  	s6 =	sshll.u32 s28, $0x1;
	[dreg:$0x2] =	wrdreg s4  }
0xaa: {  	[dreg:$0x3] =	wrdreg s6  }
0xab: {  	[dreg:$0x4] =	wrdreg $0xC0  }
0xac: {  	_ =	task [dreg:s8], $0x5FFFF  }
0xad: {  	[dreg:$0x1] =	wrdreg $0xFFFFFFFF  }
0xae: {  	[dreg:$0x0] =	wrdreg $0x60  }
0xaf: {  	[dreg:$0x2] =	wrdreg s24  }
0xb0: {  	[dreg:$0x3] =	wrdreg s2  }
0xb1: {  	[dreg:$0x4] =	wrdreg s18  }
0xb2: {  	[dreg:$0x5] =	wrdreg $0x9  }
0xb3: {  	_ =	task.clear_ibuf [dreg:s8], $0x6FFFF;
	_ =	strace $0x90000046  }
0xb4: {  	s29 =	simm.s32 $0x9;
	_ =	strace $0x80000048  }
0xb5: {  	_ =	swait.ge [sflag:s29], $0x1  }
0xb6: {  	[sflag:s29] =	ssyncadd.s32 $0xFFFFFFFF  }
0xb7: {  	_ =	strace $0x90000048  }
0xb8: {  	_ =	sfence  }
0xb9: {  	s30 =	sld [smem:$0x0];
	_ =	sdelay $0x2  }
0xba: {  	s31 =	sshll.u32 s1, $0xD;
	s1 =	sshrl.u32 s1, $0x2  }
0xbb: {  	s3 =	sand.u32 $0x4000, s31;
	s1 =	sadd.s32 s1, s30  }
0xbc: {  	s0 =	sor.u32 s3, s0;
	s1 =	sshll.u32 s1, $0x11  }
0xbd: {  	s0 =	sor.u32 s1, s0  }
0xbe: {  	s0 =	sadd.s32 $0x8F2B, s0  }
0xbf: {  	[sflag:s0] =	ssyncadd.remote.s32 $0x1  }
0xc0: {  	_ =	sfence.sel $0xFFFF  }
0xc1: {  	[dreg:$0x0] =	wrdreg $0xFFFFFFFF;
	(pc) =	sbr.abs _section_cstart, $3  }
0xc2: {  	[dreg:$0x1] =	wrdreg $0xFFFFFFFF  }
0xc3: {  	_ =	task.clear_ibuf [dreg:s8], $0x2FFFF;
	_ =	strace $0x9FFFFFFF  }
0xc4: {  	(tm) =	ssettm $0x7FFFFFFF  }
0xc5: {  	_ =	shalt  }
tec
execute0_lowered:
.L_overlay_start_1:
0x0: {  	(tag) =	ssettag $0x1  }
0x1: {  	s0 =	srdreg.scid;
	s3 =	stileid.u32  }
0x2: {  	s1 =	rddreg [dreg:$0x0];
	s8 =	smul.u32 $0xD0000, s3  }
0x3: {  	s4 =	rddreg [dreg:$0x1];
	s0 =	sand.u32 $0x1, s0;
	s11 =	smul.u32 $0x6800, s3  }
0x4: {  	s6 =	rddreg [dreg:$0x2];
	s2 =	sshll.u32 s3, $0x1;
	s9 =	smul.u32 $0x68000, s0  }
0x5: {  	s5 =	sor.u32 s0, s2;
	s10 =	ssub.s32 $0x2, s0;
	s0 =	smul.u32 $0x3400, s0  }
0x6: {  	s3 =	sadd.s32 $0xF42C00, s1;
	s2 =	simm.s32 $0x0;
	s7 =	smul.u32 $0x3400, s5  }
0x7: {  	[smem:$0x7FF] =	sst s2;
	s26 =	sshrl.u32 s10, $0x1;
	s5 =	smul.u32 $0x68000, s5  }
0x8: {  	_ =	strace $0x80000047;
	s1 =	ssub.s32 s10, s26;
	s0 =	sadd.s32 s0, s11  }
0x9: {  	s7 =	sshrl.u32 s7, $0x3;
	s5 =	sshrl.u32 s5, $0x3;
	s1 =	smax.u32 s1, $0x1  }
0xa: {  	s4 =	sadd.s32 s4, s7;
	s5 =	sadd.s32 s6, s5;
	[dreg:$0x15] =	wrdreg s1  }
0xb: {  	s0 =	sshll.u32 s0, $0x2;
	[dreg:$0xc] =	wrdreg s4;
	s13 =	sadd.s32 $0xC000, s5  }
0xc: {  	s0 =	sadd.s32 s0, s6;
	s15 =	sadd.s32 $0xC200, s5;
	[dreg:$0xd] =	wrdreg s13  }
0xd: {  	s28 =	simm.s32 $0x9400;
	s14 =	sadd.s32 $0xE00, s0;
	[dreg:$0xe] =	wrdreg s15  }
0xe: {  	s30 =	simm.s32 $0xA400;
	s17 =	sadd.s32 $0xC400, s5;
	[dreg:$0x5] =	wrdreg s14  }
0xf: {  	s31 =	simm.s32 $0x1;
	s16 =	sadd.s32 $0xC00, s0;
	[dreg:$0xf] =	wrdreg s17  }
0x10: {  	s29 =	simm.s32 $0x9;
	s19 =	sadd.s32 $0xC600, s5;
	[dreg:$0x6] =	wrdreg s16  }
0x11: {  	s12 =	sadd.s32 s9, s8;
	s18 =	sadd.s32 $0xA00, s0;
	[dreg:$0x10] =	wrdreg s19  }
0x12: {  	s8 =	simm.s32 $0xE;
	s21 =	sadd.s32 $0xC800, s5;
	[dreg:$0x7] =	wrdreg s18  }
0x13: {  	s9 =	simm.s32 $0xF;
	s20 =	sadd.s32 $0x800, s0;
	[dreg:$0x11] =	wrdreg s21  }
0x14: {  	s10 =	simm.s32 $0x10;
	s23 =	sadd.s32 $0xCA00, s5;
	[dreg:$0x8] =	wrdreg s20  }
0x15: {  	s11 =	simm.s32 $0x0;
	s22 =	sadd.s32 $0x600, s0;
	[dreg:$0x12] =	wrdreg s23  }
0x16: {  	s1 =	simm.s32 $0x2;
	s25 =	sadd.s32 $0xCC00, s5;
	[dreg:$0x9] =	wrdreg s22  }
0x17: {  	s7 =	simm.s32 $0xD;
	s24 =	sadd.s32 $0x400, s0;
	[dreg:$0x13] =	wrdreg s25  }
0x18: {  	s4 =	sshrl.u32 s12, $0x3;
	s26 =	sadd.s32 $0xCE00, s5;
	[dreg:$0xa] =	wrdreg s24  }
0x19: {  	s0 =	sadd.s32 $0x200, s0;
	s5 =	simm.s32 $0xB;
	[dreg:$0x14] =	wrdreg s26  }
0x1a: {  	s4 =	sadd.s32 s4, s6;
	[dreg:$0xb] =	wrdreg s0;
	s15 =	simm.s32 $0x80  }
0x1b: {  	s16 =	simm.s32 $0x3400;
	s17 =	simm.s32 $0x4400;
	s19 =	simm.s32 $0x5400  }
0x1c: {  	s21 =	simm.s32 $0x6400;
	s23 =	simm.s32 $0x7400;
	s25 =	simm.s32 $0x8400  }
0x1d: {  	s0 =	simm.s32 $0x3;
	s18 =	simm.s32 $0x4;
	s20 =	simm.s32 $0x5  }
0x1e: {  	s22 =	simm.s32 $0x6;
	s24 =	simm.s32 $0x7;
	s26 =	simm.s32 $0x8  }
0x1f: {  	s6 =	simm.s32 $0xC;
	[dreg:$0x4] =	wrdreg s4;
	s4 =	simm.s32 $0xA  }
.LBB2_1:
0x20: {  	s12 =	rddreg [dreg:$0xc];
	s13 =	simm.s32 $0x11  }
0x21: {  	[tilespmem:s2], [sflag:$0x11] =	stream.linear.gather [hbm4b:s12+s2], $0x3400, $0x38;
	[tilespmem:$0xB400] =	vst v63  }
0x22: {  	_ =	swait.ge [sflag:s13], $0x3400  }
0x23: {  	[sflag:s13] =	ssyncset.done $0x0  }
0x24: {  	[sflag:s13] =	ssyncadd.s32 $0xFFFFCC00  }
0x25: {  	[tilespmem:s16], [sflag:$0x1] =	stream.indirect.gather [hbm4b:s3+s15], $0x20, s2, s15, $0xb8;
	[tilespmem:$0xB400] =	vst v63  }
0x26: {  	_ = 	snop  }
0x27: {  	[tilespmem:s17], [sflag:$0x2] =	stream.indirect.gather [hbm4b:s3+s15], $0x20, s15, s15, $0xb8;
	[tilespmem:$0xB400] =	vst v63  }
0x28: {  	s14 =	simm.s32 $0x100  }
0x29: {  	[tilespmem:s19], [sflag:$0x3] =	stream.indirect.gather [hbm4b:s3+s15], $0x20, s14, s15, $0xb8;
	[tilespmem:$0xB400] =	vst v63  }
0x2a: {  	s13 =	simm.s32 $0x180  }
0x2b: {  	[tilespmem:s21], [sflag:$0x4] =	stream.indirect.gather [hbm4b:s3+s15], $0x20, s13, s15, $0xb8;
	[tilespmem:$0xB400] =	vst v63  }
0x2c: {  	s14 =	simm.s32 $0x200  }
0x2d: {  	[tilespmem:s23], [sflag:$0x5] =	stream.indirect.gather [hbm4b:s3+s15], $0x20, s14, s15, $0xb8;
	[tilespmem:$0xB400] =	vst v63  }
0x2e: {  	s13 =	simm.s32 $0x280  }
0x2f: {  	[tilespmem:s25], [sflag:$0x6] =	stream.indirect.gather [hbm4b:s3+s15], $0x20, s13, s15, $0xb8;
	[tilespmem:$0xB400] =	vst v63  }
0x30: {  	s14 =	simm.s32 $0x300  }
0x31: {  	[tilespmem:s28], [sflag:$0x7] =	stream.indirect.gather [hbm4b:s3+s15], $0x20, s14, s15, $0xb8;
	[tilespmem:$0xB400] =	vst v63  }
0x32: {  	s13 =	simm.s32 $0x380  }
0x33: {  	[tilespmem:s30], [sflag:$0x8] =	stream.indirect.gather [hbm4b:s3+s15], $0x20, s13, s15, $0xb8;
	[tilespmem:$0xB400] =	vst v63  }
0x34: {  	_ =	swait.ge [sflag:s31], $0x1000  }
0x35: {  	s14 =	rddreg [dreg:$0x4];
	[sflag:s31] =	ssyncset.done $0x0  }
0x36: {  	[sflag:s31] =	ssyncadd.s32 $0xFFFFF000;
	s12 =	sadd.s32 $0x0, s14  }
0x37: {  	[hbm4b:s12+s2] =	stream.linear.scatter [tilespmem:s16], [sflag:$0x9], $0x1000, $0x38;
	[tilespmem:$0xB400] =	vst v63  }
0x38: {  	_ =	swait.ge [sflag:s1], $0x1000  }
0x39: {  	s13 =	rddreg [dreg:$0xb];
	[sflag:s1] =	ssyncset.done $0x0  }
0x3a: {  	[sflag:s1] =	ssyncadd.s32 $0xFFFFF000;
	s12 =	sadd.s32 $0x0, s13  }
0x3b: {  	[hbm4b:s12+s2] =	stream.linear.scatter [tilespmem:s17], [sflag:$0xA], $0x1000, $0x38;
	[tilespmem:$0xB400] =	vst v63  }
0x3c: {  	_ =	swait.ge [sflag:s0], $0x1000  }
0x3d: {  	s14 =	rddreg [dreg:$0xa];
	[sflag:s0] =	ssyncset.done $0x0  }
0x3e: {  	[sflag:s0] =	ssyncadd.s32 $0xFFFFF000;
	s12 =	sadd.s32 $0x0, s14  }
0x3f: {  	[hbm4b:s12+s2] =	stream.linear.scatter [tilespmem:s19], [sflag:$0xB], $0x1000, $0x38;
	[tilespmem:$0xB400] =	vst v63  }
0x40: {  	_ =	swait.ge [sflag:s18], $0x1000  }
0x41: {  	s13 =	rddreg [dreg:$0x9];
	[sflag:s18] =	ssyncset.done $0x0  }
0x42: {  	[sflag:s18] =	ssyncadd.s32 $0xFFFFF000;
	s12 =	sadd.s32 $0x0, s13  }
0x43: {  	[hbm4b:s12+s2] =	stream.linear.scatter [tilespmem:s21], [sflag:$0xC], $0x1000, $0x38;
	[tilespmem:$0xB400] =	vst v63  }
0x44: {  	_ =	swait.ge [sflag:s20], $0x1000  }
0x45: {  	s14 =	rddreg [dreg:$0x8];
	[sflag:s20] =	ssyncset.done $0x0  }
0x46: {  	[sflag:s20] =	ssyncadd.s32 $0xFFFFF000;
	s12 =	sadd.s32 $0x0, s14  }
0x47: {  	[hbm4b:s12+s2] =	stream.linear.scatter [tilespmem:s23], [sflag:$0xD], $0x1000, $0x38;
	[tilespmem:$0xB400] =	vst v63  }
0x48: {  	_ =	swait.ge [sflag:s22], $0x1000  }
0x49: {  	s13 =	rddreg [dreg:$0x7];
	[sflag:s22] =	ssyncset.done $0x0  }
0x4a: {  	[sflag:s22] =	ssyncadd.s32 $0xFFFFF000;
	s12 =	sadd.s32 $0x0, s13  }
0x4b: {  	[hbm4b:s12+s2] =	stream.linear.scatter [tilespmem:s25], [sflag:$0xE], $0x1000, $0x38;
	[tilespmem:$0xB400] =	vst v63  }
0x4c: {  	_ =	swait.ge [sflag:s24], $0x1000  }
0x4d: {  	s14 =	rddreg [dreg:$0x6];
	[sflag:s24] =	ssyncset.done $0x0  }
0x4e: {  	[sflag:s24] =	ssyncadd.s32 $0xFFFFF000;
	s12 =	sadd.s32 $0x0, s14  }
0x4f: {  	[hbm4b:s12+s2] =	stream.linear.scatter [tilespmem:s28], [sflag:$0xF], $0x1000, $0x38;
	[tilespmem:$0xB400] =	vst v63  }
0x50: {  	_ =	swait.ge [sflag:s26], $0x1000  }
0x51: {  	s13 =	rddreg [dreg:$0x5];
	[sflag:s26] =	ssyncset.done $0x0  }
0x52: {  	[sflag:s26] =	ssyncadd.s32 $0xFFFFF000;
	s12 =	sadd.s32 $0x0, s13  }
0x53: {  	[hbm4b:s12+s2] =	stream.linear.scatter [tilespmem:s30], [sflag:$0x10], $0x1000, $0x38;
	[tilespmem:$0xB400] =	vst v63  }
0x54: {  	_ =	swait.ge [sflag:s29], $0x1000  }
0x55: {  	[sflag:s29] =	ssyncset.done $0x0  }
0x56: {  	s14 =	simm.s32 $0x400;
	[sflag:s29] =	ssyncadd.s32 $0xFFFFF000  }
0x57: {  	[tilespmem:s16], [sflag:$0x1] =	stream.indirect.gather [hbm4b:s3+s15], $0x20, s14, s15, $0xb8;
	[tilespmem:$0xB400] =	vst v63  }
0x58: {  	_ =	swait.ge [sflag:s4], $0x1000  }
0x59: {  	[sflag:s4] =	ssyncset.done $0x0  }
0x5a: {  	s13 =	simm.s32 $0x480;
	[sflag:s4] =	ssyncadd.s32 $0xFFFFF000  }
0x5b: {  	[tilespmem:s17], [sflag:$0x2] =	stream.indirect.gather [hbm4b:s3+s15], $0x20, s13, s15, $0xb8;
	[tilespmem:$0xB400] =	vst v63  }
0x5c: {  	_ =	swait.ge [sflag:s5], $0x1000  }
0x5d: {  	[sflag:s5] =	ssyncset.done $0x0  }
0x5e: {  	s14 =	simm.s32 $0x500;
	[sflag:s5] =	ssyncadd.s32 $0xFFFFF000  }
0x5f: {  	[tilespmem:s19], [sflag:$0x3] =	stream.indirect.gather [hbm4b:s3+s15], $0x20, s14, s15, $0xb8;
	[tilespmem:$0xB400] =	vst v63  }
0x60: {  	_ =	swait.ge [sflag:s6], $0x1000  }
0x61: {  	[sflag:s6] =	ssyncset.done $0x0  }
0x62: {  	s13 =	simm.s32 $0x580;
	[sflag:s6] =	ssyncadd.s32 $0xFFFFF000  }
0x63: {  	[tilespmem:s21], [sflag:$0x4] =	stream.indirect.gather [hbm4b:s3+s15], $0x20, s13, s15, $0xb8;
	[tilespmem:$0xB400] =	vst v63  }
0x64: {  	_ =	swait.ge [sflag:s7], $0x1000  }
0x65: {  	[sflag:s7] =	ssyncset.done $0x0  }
0x66: {  	s14 =	simm.s32 $0x600;
	[sflag:s7] =	ssyncadd.s32 $0xFFFFF000  }
0x67: {  	[tilespmem:s23], [sflag:$0x5] =	stream.indirect.gather [hbm4b:s3+s15], $0x20, s14, s15, $0xb8;
	[tilespmem:$0xB400] =	vst v63  }
0x68: {  	_ =	swait.ge [sflag:s8], $0x1000  }
0x69: {  	[sflag:s8] =	ssyncset.done $0x0  }
0x6a: {  	s13 =	simm.s32 $0x680;
	[sflag:s8] =	ssyncadd.s32 $0xFFFFF000  }
0x6b: {  	[tilespmem:s25], [sflag:$0x6] =	stream.indirect.gather [hbm4b:s3+s15], $0x20, s13, s15, $0xb8;
	[tilespmem:$0xB400] =	vst v63  }
0x6c: {  	_ =	swait.ge [sflag:s9], $0x1000  }
0x6d: {  	[sflag:s9] =	ssyncset.done $0x0  }
0x6e: {  	s14 =	simm.s32 $0x700;
	[sflag:s9] =	ssyncadd.s32 $0xFFFFF000  }
0x6f: {  	[tilespmem:s28], [sflag:$0x7] =	stream.indirect.gather [hbm4b:s3+s15], $0x20, s14, s15, $0xb8;
	[tilespmem:$0xB400] =	vst v63  }
0x70: {  	_ =	swait.ge [sflag:s10], $0x1000  }
0x71: {  	[sflag:s10] =	ssyncset.done $0x0  }
0x72: {  	s12 =	simm.s32 $0x1000;
	s13 =	simm.s32 $0x780;
	[sflag:s10] =	ssyncadd.s32 $0xFFFFF000  }
.LBB2_2:
0x73: {  	[tilespmem:s30], [sflag:$0x8] =	stream.indirect.gather [hbm4b:s3+s15], $0x20, s13, s15, $0xb8;
	[tilespmem:$0xB400] =	vst v63  }
0x74: {  	_ =	swait.ge [sflag:s31], $0x1000  }
0x75: {  	s13 =	smov.u32 s12;
	s14 =	rddreg [dreg:$0x4];
	[sflag:s31] =	ssyncset.done $0x0  }
0x76: {  	[sflag:s31] =	ssyncadd.s32 $0xFFFFF000;
	s14 =	sadd.s32 s13, s14  }
0x77: {  	[hbm4b:s14+s2] =	stream.linear.scatter [tilespmem:s16], [sflag:$0x9], $0x1000, $0x38;
	[tilespmem:$0xB400] =	vst v63  }
0x78: {  	_ =	swait.ge [sflag:s1], $0x1000  }
0x79: {  	s14 =	rddreg [dreg:$0xb];
	[sflag:s1] =	ssyncset.done $0x0  }
0x7a: {  	[sflag:s1] =	ssyncadd.s32 $0xFFFFF000;
	s14 =	sadd.s32 s13, s14  }
0x7b: {  	[hbm4b:s14+s2] =	stream.linear.scatter [tilespmem:s17], [sflag:$0xA], $0x1000, $0x38;
	[tilespmem:$0xB400] =	vst v63  }
0x7c: {  	_ =	swait.ge [sflag:s0], $0x1000  }
0x7d: {  	s14 =	rddreg [dreg:$0xa];
	[sflag:s0] =	ssyncset.done $0x0  }
0x7e: {  	[sflag:s0] =	ssyncadd.s32 $0xFFFFF000;
	s14 =	sadd.s32 s13, s14  }
0x7f: {  	[hbm4b:s14+s2] =	stream.linear.scatter [tilespmem:s19], [sflag:$0xB], $0x1000, $0x38;
	[tilespmem:$0xB400] =	vst v63  }
0x80: {  	_ =	swait.ge [sflag:s18], $0x1000  }
0x81: {  	s14 =	rddreg [dreg:$0x9];
	[sflag:s18] =	ssyncset.done $0x0  }
0x82: {  	[sflag:s18] =	ssyncadd.s32 $0xFFFFF000;
	s14 =	sadd.s32 s13, s14  }
0x83: {  	[hbm4b:s14+s2] =	stream.linear.scatter [tilespmem:s21], [sflag:$0xC], $0x1000, $0x38;
	[tilespmem:$0xB400] =	vst v63  }
0x84: {  	_ =	swait.ge [sflag:s20], $0x1000  }
0x85: {  	s14 =	rddreg [dreg:$0x8];
	[sflag:s20] =	ssyncset.done $0x0  }
0x86: {  	[sflag:s20] =	ssyncadd.s32 $0xFFFFF000;
	s14 =	sadd.s32 s13, s14  }
0x87: {  	[hbm4b:s14+s2] =	stream.linear.scatter [tilespmem:s23], [sflag:$0xD], $0x1000, $0x38;
	[tilespmem:$0xB400] =	vst v63  }
0x88: {  	_ =	swait.ge [sflag:s22], $0x1000  }
0x89: {  	s14 =	rddreg [dreg:$0x7];
	[sflag:s22] =	ssyncset.done $0x0  }
0x8a: {  	[sflag:s22] =	ssyncadd.s32 $0xFFFFF000;
	s14 =	sadd.s32 s13, s14  }
0x8b: {  	[hbm4b:s14+s2] =	stream.linear.scatter [tilespmem:s25], [sflag:$0xE], $0x1000, $0x38;
	[tilespmem:$0xB400] =	vst v63  }
0x8c: {  	_ =	swait.ge [sflag:s24], $0x1000  }
0x8d: {  	s14 =	rddreg [dreg:$0x6];
	[sflag:s24] =	ssyncset.done $0x0  }
0x8e: {  	[sflag:s24] =	ssyncadd.s32 $0xFFFFF000;
	s14 =	sadd.s32 s13, s14  }
0x8f: {  	[hbm4b:s14+s2] =	stream.linear.scatter [tilespmem:s28], [sflag:$0xF], $0x1000, $0x38;
	[tilespmem:$0xB400] =	vst v63  }
0x90: {  	_ =	swait.ge [sflag:s26], $0x1000  }
0x91: {  	s14 =	rddreg [dreg:$0x5];
	[sflag:s26] =	ssyncset.done $0x0  }
0x92: {  	[sflag:s26] =	ssyncadd.s32 $0xFFFFF000;
	s14 =	sadd.s32 s13, s14  }
0x93: {  	[hbm4b:s14+s2] =	stream.linear.scatter [tilespmem:s30], [sflag:$0x10], $0x1000, $0x38;
	[tilespmem:$0xB400] =	vst v63  }
0x94: {  	_ =	swait.ge [sflag:s29], $0x1000  }
0x95: {  	s13 =	sshra.s32 s13, $0x2;
	[sflag:s29] =	ssyncset.done $0x0  }
0x96: {  	s14 =	sadd.s32 $0x400, s13;
	[sflag:s29] =	ssyncadd.s32 $0xFFFFF000  }
0x97: {  	[tilespmem:s16], [sflag:$0x1] =	stream.indirect.gather [hbm4b:s3+s15], $0x20, s14, s15, $0xb8;
	[tilespmem:$0xB400] =	vst v63  }
0x98: {  	_ =	swait.ge [sflag:s4], $0x1000  }
0x99: {  	[sflag:s4] =	ssyncset.done $0x0  }
0x9a: {  	s14 =	sadd.s32 $0x480, s13;
	[sflag:s4] =	ssyncadd.s32 $0xFFFFF000  }
0x9b: {  	[tilespmem:s17], [sflag:$0x2] =	stream.indirect.gather [hbm4b:s3+s15], $0x20, s14, s15, $0xb8;
	[tilespmem:$0xB400] =	vst v63  }
0x9c: {  	_ =	swait.ge [sflag:s5], $0x1000  }
0x9d: {  	[sflag:s5] =	ssyncset.done $0x0  }
0x9e: {  	s14 =	sadd.s32 $0x500, s13;
	[sflag:s5] =	ssyncadd.s32 $0xFFFFF000  }
0x9f: {  	[tilespmem:s19], [sflag:$0x3] =	stream.indirect.gather [hbm4b:s3+s15], $0x20, s14, s15, $0xb8;
	[tilespmem:$0xB400] =	vst v63  }
0xa0: {  	_ =	swait.ge [sflag:s6], $0x1000  }
0xa1: {  	[sflag:s6] =	ssyncset.done $0x0  }
0xa2: {  	s14 =	sadd.s32 $0x580, s13;
	[sflag:s6] =	ssyncadd.s32 $0xFFFFF000  }
0xa3: {  	[tilespmem:s21], [sflag:$0x4] =	stream.indirect.gather [hbm4b:s3+s15], $0x20, s14, s15, $0xb8;
	[tilespmem:$0xB400] =	vst v63  }
0xa4: {  	_ =	swait.ge [sflag:s7], $0x1000  }
0xa5: {  	[sflag:s7] =	ssyncset.done $0x0  }
0xa6: {  	s14 =	sadd.s32 $0x600, s13;
	[sflag:s7] =	ssyncadd.s32 $0xFFFFF000  }
0xa7: {  	[tilespmem:s23], [sflag:$0x5] =	stream.indirect.gather [hbm4b:s3+s15], $0x20, s14, s15, $0xb8;
	[tilespmem:$0xB400] =	vst v63  }
0xa8: {  	_ =	swait.ge [sflag:s8], $0x1000  }
0xa9: {  	[sflag:s8] =	ssyncset.done $0x0  }
0xaa: {  	s14 =	sadd.s32 $0x680, s13;
	[sflag:s8] =	ssyncadd.s32 $0xFFFFF000  }
0xab: {  	[tilespmem:s25], [sflag:$0x6] =	stream.indirect.gather [hbm4b:s3+s15], $0x20, s14, s15, $0xb8;
	[tilespmem:$0xB400] =	vst v63  }
0xac: {  	_ =	swait.ge [sflag:s9], $0x1000  }
0xad: {  	p0 =	sne.s32 s12, $0xB000;
	[sflag:s9] =	ssyncset.done $0x0  }
.Ltmp0:
0xae: {  	s14 =	sadd.s32 $0x700, s13;
	[sflag:s9] =	ssyncadd.s32 $0xFFFFF000;
	(pc) =	sbr.rel @p0 .LBB2_2-.Ltmp0, $4  }
0xaf: {  	[tilespmem:s28], [sflag:$0x7] =	stream.indirect.gather [hbm4b:s3+s15], $0x20, s14, s15, $0xb8;
	[tilespmem:$0xB400] =	vst v63  }
0xb0: {  	_ =	swait.ge [sflag:s10], $0x1000  }
0xb1: {  	[sflag:s10] =	ssyncset.done $0x0  }
0xb2: {  	s12 =	sadd.s32 $0x1000, s12;
	s13 =	sadd.s32 $0x780, s13;
	[sflag:s10] =	ssyncadd.s32 $0xFFFFF000  }
0xb3: {  	[tilespmem:s30], [sflag:$0x8] =	stream.indirect.gather [hbm4b:s3+s15], $0x20, s13, s15, $0xb8;
	[tilespmem:$0xB400] =	vst v63  }
0xb4: {  	_ =	swait.ge [sflag:s31], $0x1000  }
0xb5: {  	[sflag:s31] =	ssyncset.done $0x0  }
0xb6: {  	s12 =	rddreg [dreg:$0xd];
	[sflag:s31] =	ssyncadd.s32 $0xFFFFF000  }
0xb7: {  	[hbm4b:s12+s2] =	stream.linear.scatter [tilespmem:s16], [sflag:$0x9], $0x1000, $0x38;
	[tilespmem:$0xB400] =	vst v63  }
0xb8: {  	_ =	swait.ge [sflag:s1], $0x1000  }
0xb9: {  	[sflag:s1] =	ssyncset.done $0x0  }
0xba: {  	s13 =	rddreg [dreg:$0xe];
	[sflag:s1] =	ssyncadd.s32 $0xFFFFF000  }
0xbb: {  	[hbm4b:s13+s2] =	stream.linear.scatter [tilespmem:s17], [sflag:$0xA], $0x1000, $0x38;
	[tilespmem:$0xB400] =	vst v63  }
0xbc: {  	_ =	swait.ge [sflag:s0], $0x1000  }
0xbd: {  	[sflag:s0] =	ssyncset.done $0x0  }
0xbe: {  	s14 =	rddreg [dreg:$0xf];
	[sflag:s0] =	ssyncadd.s32 $0xFFFFF000  }
0xbf: {  	[hbm4b:s14+s2] =	stream.linear.scatter [tilespmem:s19], [sflag:$0xB], $0x1000, $0x38;
	[tilespmem:$0xB400] =	vst v63  }
0xc0: {  	_ =	swait.ge [sflag:s18], $0x1000  }
0xc1: {  	[sflag:s18] =	ssyncset.done $0x0  }
0xc2: {  	s13 =	rddreg [dreg:$0x10];
	[sflag:s18] =	ssyncadd.s32 $0xFFFFF000  }
0xc3: {  	[hbm4b:s13+s2] =	stream.linear.scatter [tilespmem:s21], [sflag:$0xC], $0x1000, $0x38;
	[tilespmem:$0xB400] =	vst v63  }
0xc4: {  	_ =	swait.ge [sflag:s20], $0x1000  }
0xc5: {  	[sflag:s20] =	ssyncset.done $0x0  }
0xc6: {  	s14 =	rddreg [dreg:$0x11];
	[sflag:s20] =	ssyncadd.s32 $0xFFFFF000  }
0xc7: {  	[hbm4b:s14+s2] =	stream.linear.scatter [tilespmem:s23], [sflag:$0xD], $0x1000, $0x38;
	[tilespmem:$0xB400] =	vst v63  }
0xc8: {  	_ =	swait.ge [sflag:s22], $0x1000  }
0xc9: {  	[sflag:s22] =	ssyncset.done $0x0  }
0xca: {  	s13 =	rddreg [dreg:$0x12];
	[sflag:s22] =	ssyncadd.s32 $0xFFFFF000  }
0xcb: {  	[hbm4b:s13+s2] =	stream.linear.scatter [tilespmem:s25], [sflag:$0xE], $0x1000, $0x38;
	[tilespmem:$0xB400] =	vst v63  }
0xcc: {  	_ =	swait.ge [sflag:s24], $0x1000  }
0xcd: {  	[sflag:s24] =	ssyncset.done $0x0  }
0xce: {  	s14 =	rddreg [dreg:$0x13];
	[sflag:s24] =	ssyncadd.s32 $0xFFFFF000  }
0xcf: {  	[hbm4b:s14+s2] =	stream.linear.scatter [tilespmem:s28], [sflag:$0xF], $0x1000, $0x38;
	[tilespmem:$0xB400] =	vst v63  }
0xd0: {  	_ =	swait.ge [sflag:s26], $0x1000  }
0xd1: {  	[sflag:s26] =	ssyncset.done $0x0  }
0xd2: {  	s13 =	rddreg [dreg:$0x14];
	[sflag:s26] =	ssyncadd.s32 $0xFFFFF000  }
0xd3: {  	[hbm4b:s13+s2] =	stream.linear.scatter [tilespmem:s30], [sflag:$0x10], $0x1000, $0x38;
	[tilespmem:$0xB400] =	vst v63  }
0xd4: {  	_ =	swait.ge [sflag:s29], $0x1000  }
0xd5: {  	[sflag:s29] =	ssyncset.done $0x0  }
0xd6: {  	[sflag:s29] =	ssyncadd.s32 $0xFFFFF000  }
0xd7: {  	_ =	swait.ge [sflag:s4], $0x1000  }
0xd8: {  	[sflag:s4] =	ssyncset.done $0x0  }
0xd9: {  	[sflag:s4] =	ssyncadd.s32 $0xFFFFF000  }
0xda: {  	_ =	swait.ge [sflag:s5], $0x1000  }
0xdb: {  	[sflag:s5] =	ssyncset.done $0x0  }
0xdc: {  	[sflag:s5] =	ssyncadd.s32 $0xFFFFF000  }
0xdd: {  	_ =	swait.ge [sflag:s6], $0x1000  }
0xde: {  	[sflag:s6] =	ssyncset.done $0x0  }
0xdf: {  	[sflag:s6] =	ssyncadd.s32 $0xFFFFF000  }
0xe0: {  	_ =	swait.ge [sflag:s7], $0x1000  }
0xe1: {  	[sflag:s7] =	ssyncset.done $0x0  }
0xe2: {  	[sflag:s7] =	ssyncadd.s32 $0xFFFFF000  }
0xe3: {  	_ =	swait.ge [sflag:s8], $0x1000  }
0xe4: {  	[sflag:s8] =	ssyncset.done $0x0  }
0xe5: {  	[sflag:s8] =	ssyncadd.s32 $0xFFFFF000  }
0xe6: {  	_ =	swait.ge [sflag:s9], $0x1000  }
0xe7: {  	[sflag:s9] =	ssyncset.done $0x0  }
0xe8: {  	[sflag:s9] =	ssyncadd.s32 $0xFFFFF000  }
0xe9: {  	_ =	swait.ge [sflag:s10], $0x1000  }
0xea: {  	s11 =	sadd.s32 $0x1, s11;
	s14 =	rddreg [dreg:$0x15]  }
0xeb: {  	p0 =	sne.s32 s11, s14  }
.Ltmp1:
0xec: {  	_ = 	snop;
	(pc) =	sbr.rel @p0 .LBB2_1-.Ltmp1, $3  }
0xed: {  	_ =	sdelay $0x1  }
0xee: {  	[sflag:s10] =	ssyncset.done $0x0  }
0xef: {  	[sflag:s10] =	ssyncadd.s32 $0xFFFFF000  }
0xf0: {  	_ =	sfence.sel $0x180000  }
0xf1: {  	[bflag:$0x0] =	sbarrier.arrive $0xFFFF  }
0xf2: {  	_ =	strace $0x90000047  }
0xf3: {  	s0 =	stileid.u32;
	[bflag:$0x2] =	sbarrier.arrive $0xFFFF  }
0xf4: {  	p0 =	sne.s32 s0, $0x0;
	s0 =	rddreg [dreg:$0x3]  }
0xf5: {  	s0 =	sadd.s32 @!p0 $0x100000, s0  }
0xf6: {  	[sflag:s0] =	ssyncadd.tile.s32 @!p0 $0x1;
	_ =	shalt  }
.Lfunc_end2:
_tile_overlayer_lowered:
.L_overlay_start_2:
0xf7: {  	(tag) =	ssettag $0x2  }
0xf8: {  	s0 =	rddreg [dreg:$0x0];
	s2 =	stileid.u32  }
0xf9: {  	s1 =	rddreg [dreg:$0x1];
	p0 =	sne.s32 s2, $0x0  }
0xfa: {  	s3 =	rddreg [dreg:$0x2];
	[bflag:$0x3] =	sbarrier.arrive $0xFFFF;
	s2 =	simm.s32 @!p0 $0x1C11  }
0xfb: {  	[timem:s3], [sflag:s2] =	dma.local @!p0 [hbm:s0], s1  }
0xfc: {  	s0 =	simm.s32 @!p0 $0x11  }
0xfd: {  	_ =	swait.ge @!p0 [sflag:s0], s1  }
0xfe: {  	s1 =	ssub.s32 @!p0 $0x0, s1;
	[sflag:s0] =	ssyncset.done @!p0 $0x0  }
0xff: {  	[sflag:s0] =	ssyncadd.s32 @!p0 s1  }
0x100: {  	[bflag:$0x3] =	sbarrier.arrive $0xFFFF  }
0x101: {  	_ =	shalt  }

// kernel: sparse-core-data-format-call.cloned.1.call-start
scs
called_computation_lowered:
.L_overlay_start_0:
0x0: {  	s2 =	sld [smem:$0x3FD9]  }
0x1: {  	s3 =	sld [smem:$0x3FFE];
	_ =	sdelay $0x1  }
0x2: {  	s1 =	srdreg.scid  }
0x3: {  	s0 =	sand.u32 $0x1, s1  }
0x4: {  	s18 =	sshll.u32 s0, $0xA;
	s2 =	sadd.s32 s3, s2  }
0x5: {  	s2 =	sadd.s32 s2, s18  }
0x6: {  	[smem:$0x3FC6] =	sst s2  }
0x7: {  	_ = 	snop  }
0x8: {  	s2 =	sld [smem:$0x3FD0];
	(tm) =	ssettm $0x1  }
0x9: {  	s19 =	sld [smem:$0x3FFB];
	_ =	sdelay $0x3  }
0xa: {  	_ =	strace s19  }
0xb: {  	s3 =	sld [smem:$0x3FFC];
	_ =	sdelay $0x3  }
0xc: {  	_ =	strace s3  }
0xd: {  	s3 =	sld [smem:$0x3FFD];
	_ =	sdelay $0x3  }
0xe: {  	_ =	strace s3  }
0xf: {  	_ =	strace $0x8FFFFFFF  }
0x10: {  	s20 =	sld [smem:$0x3FDB];
	_ =	sdelay $0x1  }
0x11: {  	s4 =	simm.s32 $_scs_section_size  }
0x12: {  	s5 =	simm.s32 $_size__tile_overlayer_lowered;
	s6 =	simm.s32 $_tile_overlayer_lowered  }
0x13: {  	s23 =	simm.s32 $0x1BFF;
	s22 =	sshll.u32 s6, $0x1;
	s3 =	sadd.s32 s4, s20  }
0x14: {  	s7 =	simm.s32 $0x0;
	s21 =	sshll.u32 s5, $0x1;
	s5 =	sadd.s32 s22, s3  }
0x15: {  	[timem:s7], [sflag:s23] =	dma.local [hbm:s5], s21  }
0x16: {  	_ =	swait.ge [sflag:s23], s21  }
0x17: {  	s4 =	ssub.s32 $0x0, s21;
	[sflag:s23] =	ssyncset.done $0x0  }
0x18: {  	[sflag:s23] =	ssyncadd.s32 s4;
	_ =	sdelay $0x1  }
0x19: {  	s24 =	simm.s32 $0x1B8B  }
0x1a: {  	_ =	swait.ge [sflag:s24], $0x1  }
0x1b: {  	[sflag:s24] =	ssyncset.done $0x0  }
0x1c: {  	s26 =	simm.s32 $0x1B8E;
	s25 =	sld [smem:$0x3FFE];
	[sflag:s24] =	ssyncadd.s32 $0xFFFFFFFF  }
0x1d: {  	s27 =	simm.s32 $execute0_lowered;
	[smem:$0x3FD2] =	sst s26  }
0x1e: {  	s5 =	sshll.u32 s27, $0x1;
	_ =	strace $0x80000049;
	[dreg:$0x1] =	wrdreg $0xFFFFFFFF  }
0x1f: {  	s28 =	simm.s32 $_size_execute0_lowered;
	s3 =	sadd.s32 s3, s5;
	[dreg:$0x0] =	wrdreg $0x0  }
0x20: {  	s5 =	sshll.u32 s28, $0x1;
	[dreg:$0x2] =	wrdreg s3  }
0x21: {  	[dreg:$0x3] =	wrdreg s5  }
0x22: {  	[dreg:$0x4] =	wrdreg $0xC0  }
0x23: {  	_ =	task [dreg:s7], $0x5FFFF  }
0x24: {  	[dreg:$0x1] =	wrdreg $0xFFFFFFFF  }
0x25: {  	[dreg:$0x0] =	wrdreg $0x60  }
0x26: {  	[dreg:$0x2] =	wrdreg s25  }
0x27: {  	[dreg:$0x3] =	wrdreg s2  }
0x28: {  	[dreg:$0x4] =	wrdreg $0x9  }
0x29: {  	_ =	task.clear_ibuf [dreg:s7], $0x5FFFF;
	_ =	strace $0x90000049  }
0x2a: {  	s29 =	simm.s32 $0x9;
	_ =	strace $0x8000004B  }
0x2b: {  	_ =	swait.ge [sflag:s29], $0x1  }
0x2c: {  	[sflag:s29] =	ssyncadd.s32 $0xFFFFFFFF  }
0x2d: {  	_ =	strace $0x9000004B  }
0x2e: {  	_ =	sfence  }
0x2f: {  	s30 =	sld [smem:$0x0];
	_ =	sdelay $0x2  }
0x30: {  	s31 =	sshll.u32 s1, $0xD;
	s1 =	sshrl.u32 s1, $0x2  }
0x31: {  	s3 =	sand.u32 $0x4000, s31;
	s1 =	sadd.s32 s1, s30  }
0x32: {  	s0 =	sor.u32 s3, s0;
	s1 =	sshll.u32 s1, $0x11  }
0x33: {  	s0 =	sor.u32 s1, s0  }
0x34: {  	s0 =	sadd.s32 $0x8F2B, s0  }
0x35: {  	[sflag:s0] =	ssyncadd.remote.s32 $0x1  }
0x36: {  	_ =	sfence.sel $0xFFFF  }
0x37: {  	[dreg:$0x0] =	wrdreg $0xFFFFFFFF;
	(pc) =	sbr.abs _section_cstart, $3  }
0x38: {  	[dreg:$0x1] =	wrdreg $0xFFFFFFFF  }
0x39: {  	_ =	task.clear_ibuf [dreg:s7], $0x2FFFF;
	_ =	strace $0x9FFFFFFF  }
0x3a: {  	(tm) =	ssettm $0x7FFFFFFF  }
0x3b: {  	_ =	shalt  }
tec
execute0_lowered:
.L_overlay_start_1:
0x0: {  	(tag) =	ssettag $0x1  }
0x1: {  	s0 =	srdreg.scid  }
0x2: {  	s1 =	sshll.u32 s0, $0x4  }
0x3: {  	s4 =	rddreg [dreg:$0x0];
	s0 =	stileid.u32;
	s1 =	sand.u32 $0x10, s1  }
0x4: {  	s2 =	rddreg [dreg:$0x1];
	s7 =	simm.s32 $0x1;
	s1 =	sor.u32 s0, s1  }
0x5: {  	s8 =	simm.s32 $0x2;
	s11 =	simm.s32 $0x0;
	s3 =	sshll.u32 s1, $0x7  }
0x6: {  	s10 =	simm.s32 $0x0;
	s4 =	sadd.s32 $0x800, s4;
	s6 =	ssub.s32 $0x68000, s3  }
.Ltmp0:
0x7: {  	s1 =	rddreg [dreg:$0x2];
	s5 =	sand.u32 $0xF80, s6;
	(pc) =	sbr.rel .LBB1_1-.Ltmp0, $4  }
0x8: {  	_ =	strace $0x8000004A;
	s9 =	smov.u32 s3;
	p0 =	sne.s32 s5, $0x0  }
0x9: {  	s6 =	sshrl.u32 s6, $0xC;
	s5 =	simm.s32 $0x1;
	s7 =	simm.s32 @!p0 $0x0  }
0xa: {  	[sflag:s5] =	ssyncpa.u1 $0x0;
	p0 =	por $0x0, $0x0;
	s6 =	sadd.s32 s7, s6  }
0xb: {  	[sflag:s8] =	ssyncpa.u1 $0x0;
	s8 =	simm.s32 $0x340000;
	s7 =	sadd.s32 $0x1, s6  }
.LBB1_4:
0xc: {  	s14 =	sshll.u32 s11, $0x3  }
0xd: {  	s30 =	sand.u32 $0x7F, s11;
	s15 =	sand.u32 $0xFFFFFC00, s14  }
0xe: {  	s11 =	sor.u32 s30, s15  }
0xf: {  	s15 =	smulhi.u32 $0x4EC4EC4F, s11  }
0x10: {  	s14 =	smulhi.u32 $0x4EC4EC4F, s14  }
0x11: {  	s15 =	sshrl.u32 s15, $0x11  }
0x12: {  	s14 =	sshrl.u32 s14, $0x11;
	s15 =	smul.u32 $0x68000, s15  }
0x13: {  	s14 =	sand.u32 $0x1F, s14  }
0x14: {  	s14 =	smul.u32 $0xD000, s14;
	s11 =	ssub.s32 s11, s15  }
0x15: {  	s15 =	sand.u32 $0x7, s11  }
0x16: {  	s14 =	sadd.s32 s2, s14;
	s11 =	sshrl.u32 s11, $0x3;
	s15 =	sshll.u32 s15, $0x12  }
0x17: {  	[tilespmem:s13+$0x0 ss:$0x81] =	vst.msk $0xffff, v0;
	s11 =	sadd.s32 s11, s14;
	s31 =	sor.u32 $0x400, s15  }
0x18: {  	[hbm4b:s11+s31] =	stream.strided.scatter [tilespmem:s12], [sflag:$0x2], $0x1000, s8, s31, $0x20;
	[tilespmem:$0x4040] =	vst v63  }
.LBB1_5:
0x19: {  	s13 =	sadd.s32 $0x1000, s9  }
0x1a: {  	p2 =	sgt.s32 s13, $0x67FFF  }
0x1b: {  	s13 =	smov.u32 @p2 s3;
	p2 =	sne.s32 s10, s7  }
.Ltmp1:
0x1c: {  	p1 =	slt.u32 s10, $0x2;
	(pc) =	sbr.rel @!p2 .LBB1_6-.Ltmp1, $4  }
0x1d: {  	s12 =	simm.s32 @!p1 $0x2  }
0x1e: {  	s14 =	sadd.s32 $0x1, s10;
	_ =	swait.ge @!p1 [sflag:s12], $0x1000  }
0x1f: {  	s11 =	smov.u32 s9;
	p0 =	por !p0, !p0;
	[sflag:s12] =	ssyncset.done @!p1 $0x0  }
0x20: {  	s10 =	smov.u32 s14;
	s9 =	smov.u32 s13;
	[sflag:s12] =	ssyncadd.s32 @!p1 $0xFFFFF000  }
.LBB1_1:
0x21: {  	p1 =	sge.u32 s10, s6  }
0x22: {  	s12 =	sand.u32 @!p1 $0x1FFFFFF, s9  }
0x23: {  	s13 =	smulhi.u32 @!p1 $0x2762763, s12;
	_ =	sdelay $0x1  }
0x24: {  	s13 =	sshrl.u32 @!p1 s13, $0xC  }
0x25: {  	s13 =	smul.u32 @!p1 $0x68000, s13;
	_ =	sdelay $0x1  }
0x26: {  	s31 =	sadd.s32 $0xFFFFFFFF, s10;
	s14 =	sxor.u32 @!p1 $0xFFFFFFFF, s10;
	s12 =	ssub.s32 @!p1 s12, s13  }
0x27: {  	s15 =	simm.s32 @!p1 $0x80;
	s14 =	sshll.u32 @!p1 s14, $0xC;
	s12 =	sshll.u32 @!p1 s12, $0x4  }
0x28: {  	s13 =	sand.u32 @!p1 $0x1000, s14;
	s14 =	simm.s32 @!p1 $0x20;
	s12 =	sadd.s32 @!p1 s4, s12  }
0x29: {  	[tilespmem:s13], [sflag:$0x1] =	stream.strided.gather @!p1 [hbm4b:s12+s14], $0x1000, s15, s14, $0x38;
	[tilespmem:$0x4040] =	vst v63  }
0x2a: {  	p1 =	sge.u32 s31, s6  }
.Ltmp2:
0x2b: {  	_ = 	snop;
	(pc) =	sbr.rel @p1 .LBB1_5-.Ltmp2, $1  }
0x2c: {  	_ =	sdelay $0x3  }
0x2d: {  	s12 =	simm.s32 $0x1  }
0x2e: {  	_ =	swait.ge [sflag:s5], $0x1000;
	s12 =	simm.s32 @!p0 $0x0  }
0x2f: {  	[sflag:s5] =	ssyncset.done $0x0;
	s13 =	sshll.u32 s12, $0xC  }
0x30: {  	[sflag:s5] =	ssyncadd.s32 $0xFFFFF000;
	s16 =	sor.u32 $0x10, s13  }
0x31: {  	s12 =	smul.u32 $0x4080, s12;
	v1 =	vld [tilespmem:s16+$0x0]  }
0x32: {  	s30 =	sand.u32 $0x1, s10;
	v0 =	vld [tilespmem:s16+$0xFFFFFFF0]  }
0x33: {  	s13 =	smul.u32 $0x4080, s30;
	s12 =	sshrl.u32 s12, $0x2  }
0x34: {  	s14 =	sor.u32 $0x2000, s12  }
0x35: {  	s31 =	sshrl.u32 s13, $0x2;
	s13 =	sadd.s32 $0x0, s14  }
0x36: {  	s15 =	simm.s32 $0x4;
	s16 =	sadd.s32 $0x20, s16;
	s12 =	sor.u32 $0x2000, s31;
	[tilespmem:s13+$0x810 ss:$0x81] =	vst.msk $0xffff, v1  }
.LBB1_3:
0x37: {  	v1 =	vld [tilespmem:s16+$0x0];
	p1 =	sne.s32 s15, $0x1FC;
	[tilespmem:s13+$0x0 ss:$0x81] =	vst.msk $0xffff, v0;
	s13 =	smov.u32 s15;
	s15 =	sadd.s32 $0x4, s15  }
.Ltmp3:
0x38: {  	v0 =	vld [tilespmem:s16+$0xFFFFFFF0];
	(pc) =	sbr.rel @p1 .LBB1_3-.Ltmp3, $4  }
0x39: {  	_ = 	snop  }
0x3a: {  	s13 =	sshra.s32 s13, $0x2  }
0x3b: {  	s13 =	sadd.s32 s13, s14  }
0x3c: {  	s16 =	sadd.s32 $0x20, s16;
	[tilespmem:s13+$0x810 ss:$0x81] =	vst.msk $0xffff, v1  }
.Ltmp4:
0x3d: {  	_ = 	snop;
	(pc) =	sbr.rel .LBB1_4-.Ltmp4, $1  }
0x3e: {  	_ =	sdelay $0x3  }
.LBB1_6:
0x3f: {  	_ =	sfence.sel $0x180000  }
0x40: {  	s2 =	simm.s32 $0x1;
	[bflag:$0x0] =	sbarrier.arrive $0xFFFF  }
0x41: {  	s31 =	simm.s32 $0x2;
	[sflag:s2] =	ssyncpa.u1 $0x1  }
0x42: {  	[sflag:s31] =	ssyncpa.u1 $0x1  }
0x43: {  	p0 =	sne.s32 s0, $0x0;
	_ =	strace $0x9000004A  }
0x44: {  	s0 =	sadd.s32 @!p0 $0x100000, s1;
	[bflag:$0x2] =	sbarrier.arrive $0xFFFF  }
0x45: {  	[sflag:s0] =	ssyncadd.tile.s32 @!p0 $0x1;
	_ =	shalt  }
.Lfunc_end1:
_tile_overlayer_lowered:
.L_overlay_start_2:
0x46: {  	(tag) =	ssettag $0x2  }
0x47: {  	s0 =	rddreg [dreg:$0x0];
	s2 =	stileid.u32  }
0x48: {  	s1 =	rddreg [dreg:$0x1];
	p0 =	sne.s32 s2, $0x0  }
0x49: {  	s3 =	rddreg [dreg:$0x2];
	[bflag:$0x3] =	sbarrier.arrive $0xFFFF;
	s2 =	simm.s32 @!p0 $0x1C01  }
0x4a: {  	[timem:s3], [sflag:s2] =	dma.local @!p0 [hbm:s0], s1  }
0x4b: {  	s0 =	simm.s32 @!p0 $0x1  }
0x4c: {  	_ =	swait.ge @!p0 [sflag:s0], s1  }
0x4d: {  	s1 =	ssub.s32 @!p0 $0x0, s1;
	[sflag:s0] =	ssyncset.done @!p0 $0x0  }
0x4e: {  	[sflag:s0] =	ssyncadd.s32 @!p0 s1  }
0x4f: {  	[bflag:$0x3] =	sbarrier.arrive $0xFFFF  }
0x50: {  	_ =	shalt  }

</sc_bundles>
